<compile_context>
chip_gen: v7x
topology: tpu7x:2x2x1
jax: 0.10.2.dev20260603
libtpu: 0.0.44.dev20260713+nightly
codegen_flags: <defaults>
</compile_context>

<pallas_src>
import functools

import numpy as np
import jax
import jax.numpy as jnp
from jax import lax
from jax.experimental import pallas as pl
from jax.experimental.pallas import tpu as pltpu
from jax.experimental.pallas import tpu_sc as plsc

_GUMBEL_BITS = np.array([
    [1055457919, 1060849439, 3215548310, 1077986777, 1053230592, 3216131023, 1058654769, 1075020448, 1071145060, 1015105057, 1060841511, 1060840940, 1057525151, 1035105669, 1046684322, 1077845464],
    [3189265620, 1061063763, 1066986853, 1058793441, 1064650288, 1063727032, 1069667722, 3213281719, 1063576072, 3186311312, 3208004554, 1052370470, 1061090090, 1079367827, 1052595467, 1081461923],
    [1074860121, 1066223196, 1059095273, 1051662752, 3203615280, 3199130031, 1079395448, 1052541839, 3197926318, 3210949901, 1048919949, 1032067637, 1053231252, 1069895981, 1052389748, 1052348982],
    [1065556787, 3202636857, 1052581130, 3199008774, 1071984558, 1072870908, 1067903957, 1034276380, 1070680560, 1064631634, 1082461235, 3189694329, 1080925145, 1067732776, 3192194722, 3200473109],
    [1066577696, 3205015614, 3209292848, 3188467913, 1043153357, 3180983121, 1075026764, 1063292015, 3205812460, 3184807366, 1032559381, 3189187042, 1045628150, 1068207816, 1069071899, 3198805424],
    [1068991349, 3197416403, 3203365528, 3209652698, 1050602518, 3177802209, 1059051948, 1028307677, 1064141116, 3205287026, 1067500593, 1065422099, 1055744859, 1074570456, 3207806811, 3213189571],
    [1063756783, 3208226825, 1041538674, 3214712109, 1051258197, 1075857943, 1072008819, 3204451079, 1070654435, 3199305538, 3196662861, 1053119425, 1078075788, 3213287595, 1048950023, 3208011190],
    [1066355696, 3172433042, 3214122027, 3187620916, 3214404205, 1057875112, 1031072808, 3205464426, 3212001158, 1064431234, 1065412762, 1065387859, 1082571679, 1077155945, 1076241515, 1074583946],
    [1030450097, 3211137838, 3213595373, 0, 0, 0, 0, 0, 0, 0, 0, 0, 0, 0, 0, 0],
], dtype=np.uint32)
_GUMBEL = _GUMBEL_BITS.view(np.float32)

_mesh = plsc.VectorSubcoreMesh(core_axis_name="c", subcore_axis_name="s",
                               num_cores=1, num_subcores=1)


def _const_row(lane, row):
    r = jnp.full((16,), float(row[0]), jnp.float32)
    for i in range(1, 16):
        r = jnp.where(lane == i, float(row[i]), r)
    return r


def _pick(lane, x, row0, base, n):
    best = _const_row(lane, _GUMBEL[row0]) + jnp.full((16,), x[base])
    idx = jnp.zeros((16,), jnp.int32)
    for c in range(1, n):
        s = _const_row(lane, _GUMBEL[row0 + c]) + jnp.full((16,), x[base + c])
        gt = s > best
        idx = jnp.where(gt, jnp.full((16,), c, jnp.int32), idx)
        best = jnp.where(gt, s, best)
    return idx


@functools.partial(
    pl.kernel,
    out_type=(
        jax.ShapeDtypeStruct((11,), jnp.float32),
        jax.ShapeDtypeStruct((16,), jnp.int32),
        jax.ShapeDtypeStruct((16,), jnp.int32),
        jax.ShapeDtypeStruct((16,), jnp.int32),
        jax.ShapeDtypeStruct((1,), jnp.int32),
    ),
    mesh=_mesh,
    compiler_params=pltpu.CompilerParams(needs_layout_passes=False),
    scratch_types=[
        pltpu.VMEM((4, 16), jnp.float32),
        pltpu.VMEM((16,), jnp.float32),
        pltpu.VMEM((16,), jnp.int32),
        pltpu.VMEM((16,), jnp.int32),
        pltpu.VMEM((16,), jnp.int32),
        pltpu.VMEM((16,), jnp.int32),
        pltpu.SemaphoreType.DMA,
    ],
)
def _sample_sc(fl_hbm, kl_hbm, al_hbm, ul_hbm,
               probs_hbm, filt_hbm, kern_hbm, act_hbm, fc_hbm,
               stage_v, probs_v, filt_v, kern_v, act_v, fc_v, sem):
    cps = [
        pltpu.async_copy(fl_hbm, stage_v.at[0, pl.ds(0, 4)], sem),
        pltpu.async_copy(kl_hbm, stage_v.at[1, pl.ds(0, 2)], sem),
        pltpu.async_copy(al_hbm, stage_v.at[2, pl.ds(0, 2)], sem),
        pltpu.async_copy(ul_hbm, stage_v.at[3, pl.ds(0, 3)], sem),
    ]
    for c in cps:
        c.wait()

    lane = lax.iota(jnp.int32, 16)
    maskf = lane < 4
    maskk = (lane >= 4) & (lane < 6)
    maska = (lane >= 6) & (lane < 8)
    masku = (lane >= 8) & (lane < 11)
    valid = lane < 11

    r0 = stage_v[0, :]
    s1 = stage_v[1, :].at[(lane - 4) & 15].get(mode="promise_in_bounds")
    s2 = stage_v[2, :].at[(lane - 6) & 15].get(mode="promise_in_bounds")
    s3 = stage_v[3, :].at[(lane - 8) & 15].get(mode="promise_in_bounds")
    x = jnp.where(maskf, r0, jnp.where(maskk, s1, jnp.where(maska, s2, s3)))

    neg = jnp.full((16,), -1e30, jnp.float32)
    mf = jnp.max(jnp.where(maskf, x, neg))
    mk = jnp.max(jnp.where(maskk, x, neg))
    ma = jnp.max(jnp.where(maska, x, neg))
    mu = jnp.max(jnp.where(masku, x, neg))
    gmax = jnp.where(maskf, mf, jnp.where(maskk, mk, jnp.where(maska, ma, mu)))
    e = jnp.where(valid, jnp.exp(x - gmax), 0.0)
    cs = jnp.cumsum(e)
    sf = cs[3]
    sk = cs[5] - cs[3]
    sa = cs[7] - cs[5]
    su = cs[10] - cs[7]
    gsum = jnp.where(maskf, sf, jnp.where(maskk, sk, jnp.where(maska, sa, su)))
    probs_v[...] = e / gsum
    out_probs = pltpu.async_copy(probs_v.at[pl.ds(0, 11)], probs_hbm, sem)

    fi = _pick(lane, x, 0, 0, 4)
    filt_v[...] = fi * 32 + 16
    out_filt = pltpu.async_copy(filt_v, filt_hbm, sem)
    ki = _pick(lane, x, 4, 4, 2)
    kern_v[...] = ki * 3 + 2
    out_kern = pltpu.async_copy(kern_v, kern_hbm, sem)
    ai = _pick(lane, x, 6, 6, 2)
    act_v[...] = ai
    out_act = pltpu.async_copy(act_v, act_hbm, sem)

    ubest = jnp.full((16,), float(_GUMBEL[8][0]) + x[8])
    uidx = jnp.zeros((16,), jnp.int32)
    for c in (1, 2):
        sv = jnp.full((16,), float(_GUMBEL[8][c]) + x[8 + c])
        gt = sv > ubest
        uidx = jnp.where(gt, jnp.full((16,), c, jnp.int32), uidx)
        ubest = jnp.where(gt, sv, ubest)

    fc_v[...] = uidx * 128 + 128
    out_fc = pltpu.async_copy(fc_v.at[pl.ds(0, 1)], fc_hbm, sem)

    for c in (out_probs, out_filt, out_kern, out_act, out_fc):
        c.wait()


def kernel(filter_logits, kernel_logits, activation_logits, fc_unit_logits,
           num_conv_layers):
    del num_conv_layers
    return _sample_sc(filter_logits, kernel_logits, activation_logits,
                      fc_unit_logits)

# --- scband reference (transcript-rebuilt; emitter-appended) ---
"""Pipeline reference for scband-architecture-optimizer-75084618269370 (READ-ONLY COPY).

The authoritative reference and input builder live on the scoring server;
editing this copy changes nothing except your own understanding.
"""

import jax, jax.numpy as jnp
import numpy as np


def setup_inputs(seed: int = 0) -> dict:
    key = jax.random.key(seed)
    k1, k2, k3 = jax.random.split(key, 3)
    return {
        "filter_logits": jnp.array([0.1, 0.2, 0.3, 0.5], dtype=jnp.float32),
        "kernel_logits": jax.random.normal(k1, (2,), dtype=jnp.float32),
        "activation_logits": jax.random.normal(k2, (2,), dtype=jnp.float32),
        "fc_unit_logits": jax.random.normal(k3, (3,), dtype=jnp.float32),
        "num_conv_layers": 16,
    }


def reference(filter_logits, kernel_logits, activation_logits, fc_unit_logits, num_conv_layers):
    # Faithful translation of ArchitectureOptimizer.sample_architecture:
    # softmax over each logit group, then multinomial (categorical) sampling
    # per conv layer and once for the fc layer.
    probs_filters = jax.nn.softmax(filter_logits, axis=0)
    probs_kernels = jax.nn.softmax(kernel_logits, axis=0)
    probs_activations = jax.nn.softmax(activation_logits, axis=0)
    probs_fc_units = jax.nn.softmax(fc_unit_logits, axis=0)

    skey = jax.random.key(42)
    kf, kk, ka, ku = jax.random.split(skey, 4)

    NUM_CONV_LAYERS = 16
    layers_zero = num_conv_layers - num_conv_layers

    # torch.multinomial(probs, 1) per layer == categorical sampling from log-probs
    filt_idx = jax.random.categorical(kf, jnp.log(probs_filters), shape=(NUM_CONV_LAYERS,)) + layers_zero
    kern_idx = jax.random.categorical(kk, jnp.log(probs_kernels), shape=(NUM_CONV_LAYERS,)) + layers_zero
    act_idx = jax.random.categorical(ka, jnp.log(probs_activations), shape=(NUM_CONV_LAYERS,)) + layers_zero
    fc_idx = jax.random.categorical(ku, jnp.log(probs_fc_units), shape=(1,))

    filters = filt_idx * 32 + 16            # {16, 48, 80, 112}
    kernel_sizes = kern_idx * 3 + 2         # {2, 5}
    activations = act_idx                   # 0 -> relu, 1 -> leakyrelu
    fc_units = fc_idx * 128 + 128           # {128, 256, 384}

    probs_concat = jnp.concatenate([probs_filters, probs_kernels, probs_activations, probs_fc_units])
    return (probs_concat, filters, kernel_sizes, activations, fc_units)

if __name__ == "__main__":
    import jax
    _d = setup_inputs()
    print(jax.jit(kernel)(*tuple(_d.values())))

</pallas_src>

<mosaic_0001>
#map = affine_map<(d0, d1) -> (0)>
module attributes {stable_mosaic.version = 14 : i64} {
  func.func @_sample_sc(%arg0: i32, %arg1: i32, %arg2: memref<4xf32, #tpu.memory_space<hbm>>, %arg3: memref<2xf32, #tpu.memory_space<hbm>>, %arg4: memref<2xf32, #tpu.memory_space<hbm>>, %arg5: memref<3xf32, #tpu.memory_space<hbm>>, %arg6: memref<11xf32, #tpu.memory_space<hbm>>, %arg7: memref<16xi32, #tpu.memory_space<hbm>>, %arg8: memref<16xi32, #tpu.memory_space<hbm>>, %arg9: memref<16xi32, #tpu.memory_space<hbm>>, %arg10: memref<1xi32, #tpu.memory_space<hbm>>, %arg11: memref<4x16xf32, #tpu.memory_space<vmem>>, %arg12: memref<16xf32, #tpu.memory_space<vmem>>, %arg13: memref<16xi32, #tpu.memory_space<vmem>>, %arg14: memref<16xi32, #tpu.memory_space<vmem>>, %arg15: memref<16xi32, #tpu.memory_space<vmem>>, %arg16: memref<16xi32, #tpu.memory_space<vmem>>, %arg17: memref<!tpu.dma_semaphore, #tpu.memory_space<semaphore_mem>>) attributes {dimension_semantics = [#tpu.dimension_semantics<core_parallel>, #tpu.dimension_semantics<subcore_parallel>], iteration_bounds = array<i64: 1, 1>, scalar_prefetch = 0 : i64, scratch_operands = 7 : i64, tpu.core_type = #tpu.core_type<sc_vector_subcore>, window_params = [{transform_indices = #map}, {transform_indices = #map}, {transform_indices = #map}, {transform_indices = #map}, {transform_indices = #map}, {transform_indices = #map}, {transform_indices = #map}, {transform_indices = #map}, {transform_indices = #map}]} {
    %dma_start3A = arith.constant 0 : i32
    %dma_start3A_0 = arith.constant 0 : i32
    %dma_start3A_1 = tpu.memref_slice %arg11[%dma_start3A, %dma_start3A_0] : memref<4x16xf32, #tpu.memory_space<vmem>> -> memref<1x4xf32, #tpu.memory_space<vmem>>
    %dma_start3A_2 = tpu.memref_squeeze %dma_start3A_1 : memref<1x4xf32, #tpu.memory_space<vmem>> -> memref<4xf32, #tpu.memory_space<vmem>>
    %dma_start3A_3 = arith.constant 0 : i32
    %dma_start3A_4 = tpu.memref_slice %arg11[%dma_start3A, %dma_start3A_3] : memref<4x16xf32, #tpu.memory_space<vmem>> -> memref<1x4xf32, #tpu.memory_space<vmem>>
    %dma_start3A_5 = tpu.memref_squeeze %dma_start3A_4 : memref<1x4xf32, #tpu.memory_space<vmem>> -> memref<4xf32, #tpu.memory_space<vmem>>
    tpu.enqueue_dma source(%arg2 : memref<4xf32, #tpu.memory_space<hbm>>) target(%dma_start3A_5 : memref<4xf32, #tpu.memory_space<vmem>>) target_semaphore(%arg17 : memref<!tpu.dma_semaphore, #tpu.memory_space<semaphore_mem>>)
    %dma_start3A_6 = arith.constant 1 : i32
    %dma_start3A_7 = arith.constant 0 : i32
    %dma_start3A_8 = tpu.memref_slice %arg11[%dma_start3A_6, %dma_start3A_7] : memref<4x16xf32, #tpu.memory_space<vmem>> -> memref<1x2xf32, #tpu.memory_space<vmem>>
    %dma_start3A_9 = tpu.memref_squeeze %dma_start3A_8 : memref<1x2xf32, #tpu.memory_space<vmem>> -> memref<2xf32, #tpu.memory_space<vmem>>
    %dma_start3A_10 = arith.constant 0 : i32
    %dma_start3A_11 = tpu.memref_slice %arg11[%dma_start3A_6, %dma_start3A_10] : memref<4x16xf32, #tpu.memory_space<vmem>> -> memref<1x2xf32, #tpu.memory_space<vmem>>
    %dma_start3A_12 = tpu.memref_squeeze %dma_start3A_11 : memref<1x2xf32, #tpu.memory_space<vmem>> -> memref<2xf32, #tpu.memory_space<vmem>>
    tpu.enqueue_dma source(%arg3 : memref<2xf32, #tpu.memory_space<hbm>>) target(%dma_start3A_12 : memref<2xf32, #tpu.memory_space<vmem>>) target_semaphore(%arg17 : memref<!tpu.dma_semaphore, #tpu.memory_space<semaphore_mem>>)
    %dma_start3A_13 = arith.constant 2 : i32
    %dma_start3A_14 = arith.constant 0 : i32
    %dma_start3A_15 = tpu.memref_slice %arg11[%dma_start3A_13, %dma_start3A_14] : memref<4x16xf32, #tpu.memory_space<vmem>> -> memref<1x2xf32, #tpu.memory_space<vmem>>
    %dma_start3A_16 = tpu.memref_squeeze %dma_start3A_15 : memref<1x2xf32, #tpu.memory_space<vmem>> -> memref<2xf32, #tpu.memory_space<vmem>>
    %dma_start3A_17 = arith.constant 0 : i32
    %dma_start3A_18 = tpu.memref_slice %arg11[%dma_start3A_13, %dma_start3A_17] : memref<4x16xf32, #tpu.memory_space<vmem>> -> memref<1x2xf32, #tpu.memory_space<vmem>>
    %dma_start3A_19 = tpu.memref_squeeze %dma_start3A_18 : memref<1x2xf32, #tpu.memory_space<vmem>> -> memref<2xf32, #tpu.memory_space<vmem>>
    tpu.enqueue_dma source(%arg4 : memref<2xf32, #tpu.memory_space<hbm>>) target(%dma_start3A_19 : memref<2xf32, #tpu.memory_space<vmem>>) target_semaphore(%arg17 : memref<!tpu.dma_semaphore, #tpu.memory_space<semaphore_mem>>)
    %dma_start3A_20 = arith.constant 3 : i32
    %dma_start3A_21 = arith.constant 0 : i32
    %dma_start3A_22 = tpu.memref_slice %arg11[%dma_start3A_20, %dma_start3A_21] : memref<4x16xf32, #tpu.memory_space<vmem>> -> memref<1x3xf32, #tpu.memory_space<vmem>>
    %dma_start3A_23 = tpu.memref_squeeze %dma_start3A_22 : memref<1x3xf32, #tpu.memory_space<vmem>> -> memref<3xf32, #tpu.memory_space<vmem>>
    %dma_start3A_24 = arith.constant 0 : i32
    %dma_start3A_25 = tpu.memref_slice %arg11[%dma_start3A_20, %dma_start3A_24] : memref<4x16xf32, #tpu.memory_space<vmem>> -> memref<1x3xf32, #tpu.memory_space<vmem>>
    %dma_start3A_26 = tpu.memref_squeeze %dma_start3A_25 : memref<1x3xf32, #tpu.memory_space<vmem>> -> memref<3xf32, #tpu.memory_space<vmem>>
    tpu.enqueue_dma source(%arg5 : memref<3xf32, #tpu.memory_space<hbm>>) target(%dma_start3A_26 : memref<3xf32, #tpu.memory_space<vmem>>) target_semaphore(%arg17 : memref<!tpu.dma_semaphore, #tpu.memory_space<semaphore_mem>>)
    %dma_wait3A = arith.constant 0 : i32
    %dma_wait3A_27 = arith.constant 0 : i32
    %dma_wait3A_28 = tpu.memref_slice %arg11[%dma_wait3A, %dma_wait3A_27] : memref<4x16xf32, #tpu.memory_space<vmem>> -> memref<1x4xf32, #tpu.memory_space<vmem>>
    %dma_wait3A_29 = tpu.memref_squeeze %dma_wait3A_28 : memref<1x4xf32, #tpu.memory_space<vmem>> -> memref<4xf32, #tpu.memory_space<vmem>>
    %dma_wait3A_30 = arith.constant 0 : i32
    %dma_wait3A_31 = tpu.memref_slice %arg11[%dma_wait3A, %dma_wait3A_30] : memref<4x16xf32, #tpu.memory_space<vmem>> -> memref<1x4xf32, #tpu.memory_space<vmem>>
    %dma_wait3A_32 = tpu.memref_squeeze %dma_wait3A_31 : memref<1x4xf32, #tpu.memory_space<vmem>> -> memref<4xf32, #tpu.memory_space<vmem>>
    tpu.wait_dma2 semaphore(%arg17 : memref<!tpu.dma_semaphore, #tpu.memory_space<semaphore_mem>>) src(%arg2 : memref<4xf32, #tpu.memory_space<hbm>>) dst(%dma_wait3A_32 : memref<4xf32, #tpu.memory_space<vmem>>)
    %dma_wait3A_33 = arith.constant 1 : i32
    %dma_wait3A_34 = arith.constant 0 : i32
    %dma_wait3A_35 = tpu.memref_slice %arg11[%dma_wait3A_33, %dma_wait3A_34] : memref<4x16xf32, #tpu.memory_space<vmem>> -> memref<1x2xf32, #tpu.memory_space<vmem>>
    %dma_wait3A_36 = tpu.memref_squeeze %dma_wait3A_35 : memref<1x2xf32, #tpu.memory_space<vmem>> -> memref<2xf32, #tpu.memory_space<vmem>>
    %dma_wait3A_37 = arith.constant 0 : i32
    %dma_wait3A_38 = tpu.memref_slice %arg11[%dma_wait3A_33, %dma_wait3A_37] : memref<4x16xf32, #tpu.memory_space<vmem>> -> memref<1x2xf32, #tpu.memory_space<vmem>>
    %dma_wait3A_39 = tpu.memref_squeeze %dma_wait3A_38 : memref<1x2xf32, #tpu.memory_space<vmem>> -> memref<2xf32, #tpu.memory_space<vmem>>
    tpu.wait_dma2 semaphore(%arg17 : memref<!tpu.dma_semaphore, #tpu.memory_space<semaphore_mem>>) src(%arg3 : memref<2xf32, #tpu.memory_space<hbm>>) dst(%dma_wait3A_39 : memref<2xf32, #tpu.memory_space<vmem>>)
    %dma_wait3A_40 = arith.constant 2 : i32
    %dma_wait3A_41 = arith.constant 0 : i32
    %dma_wait3A_42 = tpu.memref_slice %arg11[%dma_wait3A_40, %dma_wait3A_41] : memref<4x16xf32, #tpu.memory_space<vmem>> -> memref<1x2xf32, #tpu.memory_space<vmem>>
    %dma_wait3A_43 = tpu.memref_squeeze %dma_wait3A_42 : memref<1x2xf32, #tpu.memory_space<vmem>> -> memref<2xf32, #tpu.memory_space<vmem>>
    %dma_wait3A_44 = arith.constant 0 : i32
    %dma_wait3A_45 = tpu.memref_slice %arg11[%dma_wait3A_40, %dma_wait3A_44] : memref<4x16xf32, #tpu.memory_space<vmem>> -> memref<1x2xf32, #tpu.memory_space<vmem>>
    %dma_wait3A_46 = tpu.memref_squeeze %dma_wait3A_45 : memref<1x2xf32, #tpu.memory_space<vmem>> -> memref<2xf32, #tpu.memory_space<vmem>>
    tpu.wait_dma2 semaphore(%arg17 : memref<!tpu.dma_semaphore, #tpu.memory_space<semaphore_mem>>) src(%arg4 : memref<2xf32, #tpu.memory_space<hbm>>) dst(%dma_wait3A_46 : memref<2xf32, #tpu.memory_space<vmem>>)
    %dma_wait3A_47 = arith.constant 3 : i32
    %dma_wait3A_48 = arith.constant 0 : i32
    %dma_wait3A_49 = tpu.memref_slice %arg11[%dma_wait3A_47, %dma_wait3A_48] : memref<4x16xf32, #tpu.memory_space<vmem>> -> memref<1x3xf32, #tpu.memory_space<vmem>>
    %dma_wait3A_50 = tpu.memref_squeeze %dma_wait3A_49 : memref<1x3xf32, #tpu.memory_space<vmem>> -> memref<3xf32, #tpu.memory_space<vmem>>
    %dma_wait3A_51 = arith.constant 0 : i32
    %dma_wait3A_52 = tpu.memref_slice %arg11[%dma_wait3A_47, %dma_wait3A_51] : memref<4x16xf32, #tpu.memory_space<vmem>> -> memref<1x3xf32, #tpu.memory_space<vmem>>
    %dma_wait3A_53 = tpu.memref_squeeze %dma_wait3A_52 : memref<1x3xf32, #tpu.memory_space<vmem>> -> memref<3xf32, #tpu.memory_space<vmem>>
    tpu.wait_dma2 semaphore(%arg17 : memref<!tpu.dma_semaphore, #tpu.memory_space<semaphore_mem>>) src(%arg5 : memref<3xf32, #tpu.memory_space<hbm>>) dst(%dma_wait3A_53 : memref<3xf32, #tpu.memory_space<vmem>>)
    %iota3A = tpu.iota {dimensions = array<i32: 0>} : vector<16xi32>
    %lt3A = arith.constant 4 : i32
    %lt3A_54 = vector.broadcast %lt3A : i32 to vector<16xi32>
    %lt3A_55 = arith.cmpi slt, %iota3A, %lt3A_54 : vector<16xi32>
    %ge3A = arith.constant 4 : i32
    %ge3A_56 = vector.broadcast %ge3A : i32 to vector<16xi32>
    %ge3A_57 = arith.cmpi sge, %iota3A, %ge3A_56 : vector<16xi32>
    %lt3A_58 = arith.constant 6 : i32
    %lt3A_59 = vector.broadcast %lt3A_58 : i32 to vector<16xi32>
    %lt3A_60 = arith.cmpi slt, %iota3A, %lt3A_59 : vector<16xi32>
    %and3A = arith.andi %ge3A_57, %lt3A_60 : vector<16xi1>
    %ge3A_61 = arith.constant 6 : i32
    %ge3A_62 = vector.broadcast %ge3A_61 : i32 to vector<16xi32>
    %ge3A_63 = arith.cmpi sge, %iota3A, %ge3A_62 : vector<16xi32>
    %lt3A_64 = arith.constant 8 : i32
    %lt3A_65 = vector.broadcast %lt3A_64 : i32 to vector<16xi32>
    %lt3A_66 = arith.cmpi slt, %iota3A, %lt3A_65 : vector<16xi32>
    %and3A_67 = arith.andi %ge3A_63, %lt3A_66 : vector<16xi1>
    %ge3A_68 = arith.constant 8 : i32
    %ge3A_69 = vector.broadcast %ge3A_68 : i32 to vector<16xi32>
    %ge3A_70 = arith.cmpi sge, %iota3A, %ge3A_69 : vector<16xi32>
    %lt3A_71 = arith.constant 11 : i32
    %lt3A_72 = vector.broadcast %lt3A_71 : i32 to vector<16xi32>
    %lt3A_73 = arith.cmpi slt, %iota3A, %lt3A_72 : vector<16xi32>
    %and3A_74 = arith.andi %ge3A_70, %lt3A_73 : vector<16xi1>
    %lt3A_75 = arith.constant 11 : i32
    %lt3A_76 = vector.broadcast %lt3A_75 : i32 to vector<16xi32>
    %lt3A_77 = arith.cmpi slt, %iota3A, %lt3A_76 : vector<16xi32>
    %get3A = arith.constant 0 : i32
    %get3A_78 = arith.index_cast %get3A : i32 to index
    %get3A_79 = arith.constant 0 : index
    %get3A_80 = tpu.vector_load %arg11[%get3A_78, %get3A_79] {strides = array<i32>} : memref<4x16xf32, #tpu.memory_space<vmem>>, vector<16xf32>,
    %get3A_81 = arith.constant 1 : i32
    %get3A_82 = arith.index_cast %get3A_81 : i32 to index
    %get3A_83 = arith.constant 0 : index
    %get3A_84 = tpu.vector_load %arg11[%get3A_82, %get3A_83] {strides = array<i32>} : memref<4x16xf32, #tpu.memory_space<vmem>>, vector<16xf32>,
    %sub3A = arith.constant 4 : i32
    %sub3A_85 = vector.broadcast %sub3A : i32 to vector<16xi32>
    %sub3A_86 = arith.subi %iota3A, %sub3A_85 : vector<16xi32>
    %and3A_87 = arith.constant 15 : i32
    %and3A_88 = vector.broadcast %and3A_87 : i32 to vector<16xi32>
    %and3A_89 = arith.andi %sub3A_86, %and3A_88 : vector<16xi32>
    %lt3A_90 = arith.constant 0 : i32
    %lt3A_91 = vector.broadcast %lt3A_90 : i32 to vector<16xi32>
    %lt3A_92 = arith.cmpi slt, %and3A_89, %lt3A_91 : vector<16xi32>
    %add3A = arith.constant 16 : i32
    %add3A_93 = vector.broadcast %add3A : i32 to vector<16xi32>
    %add3A_94 = arith.addi %and3A_89, %add3A_93 : vector<16xi32>
    %select_n3A = arith.select %lt3A_92, %add3A_94, %and3A_89 : vector<16xi1>, vector<16xi32>
    %broadcast_in_dim3A = vector.shape_cast %select_n3A : vector<16xi32> to vector<16x1xi32>
    %gather3A = vector.shape_cast %broadcast_in_dim3A : vector<16x1xi32> to vector<16xi32>
    %gather3A_95 = tpu.dynamic_gather %get3A_84[%gather3A] in [0] : vector<16xf32>, vector<16xi32> -> vector<16xf32>
    %get3A_96 = arith.constant 2 : i32
    %get3A_97 = arith.index_cast %get3A_96 : i32 to index
    %get3A_98 = arith.constant 0 : index
    %get3A_99 = tpu.vector_load %arg11[%get3A_97, %get3A_98] {strides = array<i32>} : memref<4x16xf32, #tpu.memory_space<vmem>>, vector<16xf32>,
    %sub3A_100 = arith.constant 6 : i32
    %sub3A_101 = vector.broadcast %sub3A_100 : i32 to vector<16xi32>
    %sub3A_102 = arith.subi %iota3A, %sub3A_101 : vector<16xi32>
    %and3A_103 = arith.constant 15 : i32
    %and3A_104 = vector.broadcast %and3A_103 : i32 to vector<16xi32>
    %and3A_105 = arith.andi %sub3A_102, %and3A_104 : vector<16xi32>
    %lt3A_106 = arith.constant 0 : i32
    %lt3A_107 = vector.broadcast %lt3A_106 : i32 to vector<16xi32>
    %lt3A_108 = arith.cmpi slt, %and3A_105, %lt3A_107 : vector<16xi32>
    %add3A_109 = arith.constant 16 : i32
    %add3A_110 = vector.broadcast %add3A_109 : i32 to vector<16xi32>
    %add3A_111 = arith.addi %and3A_105, %add3A_110 : vector<16xi32>
    %select_n3A_112 = arith.select %lt3A_108, %add3A_111, %and3A_105 : vector<16xi1>, vector<16xi32>
    %broadcast_in_dim3A_113 = vector.shape_cast %select_n3A_112 : vector<16xi32> to vector<16x1xi32>
    %gather3A_114 = vector.shape_cast %broadcast_in_dim3A_113 : vector<16x1xi32> to vector<16xi32>
    %gather3A_115 = tpu.dynamic_gather %get3A_99[%gather3A_114] in [0] : vector<16xf32>, vector<16xi32> -> vector<16xf32>
    %get3A_116 = arith.constant 3 : i32
    %get3A_117 = arith.index_cast %get3A_116 : i32 to index
    %get3A_118 = arith.constant 0 : index
    %get3A_119 = tpu.vector_load %arg11[%get3A_117, %get3A_118] {strides = array<i32>} : memref<4x16xf32, #tpu.memory_space<vmem>>, vector<16xf32>,
    %sub3A_120 = arith.constant 8 : i32
    %sub3A_121 = vector.broadcast %sub3A_120 : i32 to vector<16xi32>
    %sub3A_122 = arith.subi %iota3A, %sub3A_121 : vector<16xi32>
    %and3A_123 = arith.constant 15 : i32
    %and3A_124 = vector.broadcast %and3A_123 : i32 to vector<16xi32>
    %and3A_125 = arith.andi %sub3A_122, %and3A_124 : vector<16xi32>
    %lt3A_126 = arith.constant 0 : i32
    %lt3A_127 = vector.broadcast %lt3A_126 : i32 to vector<16xi32>
    %lt3A_128 = arith.cmpi slt, %and3A_125, %lt3A_127 : vector<16xi32>
    %add3A_129 = arith.constant 16 : i32
    %add3A_130 = vector.broadcast %add3A_129 : i32 to vector<16xi32>
    %add3A_131 = arith.addi %and3A_125, %add3A_130 : vector<16xi32>
    %select_n3A_132 = arith.select %lt3A_128, %add3A_131, %and3A_125 : vector<16xi1>, vector<16xi32>
    %broadcast_in_dim3A_133 = vector.shape_cast %select_n3A_132 : vector<16xi32> to vector<16x1xi32>
    %gather3A_134 = vector.shape_cast %broadcast_in_dim3A_133 : vector<16x1xi32> to vector<16xi32>
    %gather3A_135 = tpu.dynamic_gather %get3A_119[%gather3A_134] in [0] : vector<16xf32>, vector<16xi32> -> vector<16xf32>
    %select_n3A_136 = arith.select %and3A_67, %gather3A_115, %gather3A_135 : vector<16xi1>, vector<16xf32>
    %select_n3A_137 = arith.select %and3A, %gather3A_95, %select_n3A_136 : vector<16xi1>, vector<16xf32>
    %select_n3A_138 = arith.select %lt3A_55, %get3A_80, %select_n3A_137 : vector<16xi1>, vector<16xf32>
    %broadcast_in_dim3A_139 = arith.constant -1.000000e+30 : f32
    %broadcast_in_dim3A_140 = vector.broadcast %broadcast_in_dim3A_139 : f32 to vector<16xf32>
    %select_n3A_141 = arith.select %lt3A_55, %select_n3A_138, %broadcast_in_dim3A_140 : vector<16xi1>, vector<16xf32>
    %reduce_max3A = arith.constant true
    %reduce_max3A_142 = vector.broadcast %reduce_max3A : i1 to vector<16xi1>
    %reduce_max3A_143 = tpu.scan <max>, %select_n3A_141 masked %reduce_max3A_142 : vector<16xf32>, vector<16xi1> -> vector<16xf32>
    %reduce_max3A_144 = vector.extract %reduce_max3A_143[15] : f32 from vector<16xf32>
    %select_n3A_145 = arith.select %and3A, %select_n3A_138, %broadcast_in_dim3A_140 : vector<16xi1>, vector<16xf32>
    %reduce_max3A_146 = arith.constant true
    %reduce_max3A_147 = vector.broadcast %reduce_max3A_146 : i1 to vector<16xi1>
    %reduce_max3A_148 = tpu.scan <max>, %select_n3A_145 masked %reduce_max3A_147 : vector<16xf32>, vector<16xi1> -> vector<16xf32>
    %reduce_max3A_149 = vector.extract %reduce_max3A_148[15] : f32 from vector<16xf32>
    %select_n3A_150 = arith.select %and3A_67, %select_n3A_138, %broadcast_in_dim3A_140 : vector<16xi1>, vector<16xf32>
    %reduce_max3A_151 = arith.constant true
    %reduce_max3A_152 = vector.broadcast %reduce_max3A_151 : i1 to vector<16xi1>
    %reduce_max3A_153 = tpu.scan <max>, %select_n3A_150 masked %reduce_max3A_152 : vector<16xf32>, vector<16xi1> -> vector<16xf32>
    %reduce_max3A_154 = vector.extract %reduce_max3A_153[15] : f32 from vector<16xf32>
    %select_n3A_155 = arith.select %and3A_74, %select_n3A_138, %broadcast_in_dim3A_140 : vector<16xi1>, vector<16xf32>
    %reduce_max3A_156 = arith.constant true
    %reduce_max3A_157 = vector.broadcast %reduce_max3A_156 : i1 to vector<16xi1>
    %reduce_max3A_158 = tpu.scan <max>, %select_n3A_155 masked %reduce_max3A_157 : vector<16xf32>, vector<16xi1> -> vector<16xf32>
    %reduce_max3A_159 = vector.extract %reduce_max3A_158[15] : f32 from vector<16xf32>
    %broadcast_in_dim3A_160 = vector.broadcast %reduce_max3A_154 : f32 to vector<16xf32>
    %broadcast_in_dim3A_161 = vector.broadcast %reduce_max3A_159 : f32 to vector<16xf32>
    %select_n3A_162 = arith.select %and3A_67, %broadcast_in_dim3A_160, %broadcast_in_dim3A_161 : vector<16xi1>, vector<16xf32>
    %broadcast_in_dim3A_163 = vector.broadcast %reduce_max3A_149 : f32 to vector<16xf32>
    %select_n3A_164 = arith.select %and3A, %broadcast_in_dim3A_163, %select_n3A_162 : vector<16xi1>, vector<16xf32>
    %broadcast_in_dim3A_165 = vector.broadcast %reduce_max3A_144 : f32 to vector<16xf32>
    %select_n3A_166 = arith.select %lt3A_55, %broadcast_in_dim3A_165, %select_n3A_164 : vector<16xi1>, vector<16xf32>
    %sub3A_167 = arith.subf %select_n3A_138, %select_n3A_166 : vector<16xf32>
    %exp3A = math.exp %sub3A_167 : vector<16xf32>
    %jit3A = arith.constant 0.000000e+00 : f32
    %broadcast_in_dim3A_168 = vector.broadcast %jit3A : f32 to vector<16xf32>
    %select_n3A_169 = arith.select %lt3A_77, %exp3A, %broadcast_in_dim3A_168 : vector<16xi1>, vector<16xf32>
    %cumsum3A = arith.constant true
    %cumsum3A_170 = vector.broadcast %cumsum3A : i1 to vector<16xi1>
    %cumsum3A_171 = tpu.scan <sum>, %select_n3A_169 masked %cumsum3A_170 : vector<16xf32>, vector<16xi1> -> vector<16xf32>
    %slice3A = vector.extract_strided_slice %cumsum3A_171 {offsets = [3], sizes = [1], strides = [1]} : vector<16xf32> to vector<1xf32>
    %squeeze3A = vector.extract %slice3A[0] : f32 from vector<1xf32>
    %slice3A_172 = vector.extract_strided_slice %cumsum3A_171 {offsets = [5], sizes = [1], strides = [1]} : vector<16xf32> to vector<1xf32>
    %squeeze3A_173 = vector.extract %slice3A_172[0] : f32 from vector<1xf32>
    %slice3A_174 = vector.extract_strided_slice %cumsum3A_171 {offsets = [3], sizes = [1], strides = [1]} : vector<16xf32> to vector<1xf32>
    %squeeze3A_175 = vector.extract %slice3A_174[0] : f32 from vector<1xf32>
    %sub3A_176 = arith.subf %squeeze3A_173, %squeeze3A_175 : f32
    %slice3A_177 = vector.extract_strided_slice %cumsum3A_171 {offsets = [7], sizes = [1], strides = [1]} : vector<16xf32> to vector<1xf32>
    %squeeze3A_178 = vector.extract %slice3A_177[0] : f32 from vector<1xf32>
    %slice3A_179 = vector.extract_strided_slice %cumsum3A_171 {offsets = [5], sizes = [1], strides = [1]} : vector<16xf32> to vector<1xf32>
    %squeeze3A_180 = vector.extract %slice3A_179[0] : f32 from vector<1xf32>
    %sub3A_181 = arith.subf %squeeze3A_178, %squeeze3A_180 : f32
    %slice3A_182 = vector.extract_strided_slice %cumsum3A_171 {offsets = [10], sizes = [1], strides = [1]} : vector<16xf32> to vector<1xf32>
    %squeeze3A_183 = vector.extract %slice3A_182[0] : f32 from vector<1xf32>
    %slice3A_184 = vector.extract_strided_slice %cumsum3A_171 {offsets = [7], sizes = [1], strides = [1]} : vector<16xf32> to vector<1xf32>
    %squeeze3A_185 = vector.extract %slice3A_184[0] : f32 from vector<1xf32>
    %sub3A_186 = arith.subf %squeeze3A_183, %squeeze3A_185 : f32
    %broadcast_in_dim3A_187 = vector.broadcast %sub3A_181 : f32 to vector<16xf32>
    %broadcast_in_dim3A_188 = vector.broadcast %sub3A_186 : f32 to vector<16xf32>
    %select_n3A_189 = arith.select %and3A_67, %broadcast_in_dim3A_187, %broadcast_in_dim3A_188 : vector<16xi1>, vector<16xf32>
    %broadcast_in_dim3A_190 = vector.broadcast %sub3A_176 : f32 to vector<16xf32>
    %select_n3A_191 = arith.select %and3A, %broadcast_in_dim3A_190, %select_n3A_189 : vector<16xi1>, vector<16xf32>
    %broadcast_in_dim3A_192 = vector.broadcast %squeeze3A : f32 to vector<16xf32>
    %select_n3A_193 = arith.select %lt3A_55, %broadcast_in_dim3A_192, %select_n3A_191 : vector<16xi1>, vector<16xf32>
    %div3A = arith.divf %select_n3A_169, %select_n3A_193 : vector<16xf32>
    %swap3A = arith.constant 0 : index
    %swap3A_194 = tpu.vector_load %arg12[%swap3A] {strides = array<i32>} : memref<16xf32, #tpu.memory_space<vmem>>, vector<16xf32>,
    tpu.vector_store %arg12[%swap3A], %div3A {strides = array<i32>} : memref<16xf32, #tpu.memory_space<vmem>>, vector<16xf32>,
    %dma_start3A_195 = arith.constant 0 : i32
    %dma_start3A_196 = tpu.memref_slice %arg12[%dma_start3A_195] : memref<16xf32, #tpu.memory_space<vmem>> -> memref<11xf32, #tpu.memory_space<vmem>>
    %dma_start3A_197 = arith.constant 0 : i32
    %dma_start3A_198 = tpu.memref_slice %arg12[%dma_start3A_197] : memref<16xf32, #tpu.memory_space<vmem>> -> memref<11xf32, #tpu.memory_space<vmem>>
    tpu.enqueue_dma source(%dma_start3A_198 : memref<11xf32, #tpu.memory_space<vmem>>) target(%arg6 : memref<11xf32, #tpu.memory_space<hbm>>) target_semaphore(%arg17 : memref<!tpu.dma_semaphore, #tpu.memory_space<semaphore_mem>>)
    %broadcast_in_dim3A_199 = arith.constant 0.455097169 : f32
    %broadcast_in_dim3A_200 = vector.broadcast %broadcast_in_dim3A_199 : f32 to vector<16xf32>
    %eq3A = arith.constant 1 : i32
    %eq3A_201 = vector.broadcast %eq3A : i32 to vector<16xi32>
    %eq3A_202 = arith.cmpi eq, %iota3A, %eq3A_201 : vector<16xi32>
    %jit3A_203 = arith.constant 0.731553971 : f32
    %broadcast_in_dim3A_204 = vector.broadcast %jit3A_203 : f32 to vector<16xf32>
    %select_n3A_205 = arith.select %eq3A_202, %broadcast_in_dim3A_204, %broadcast_in_dim3A_200 : vector<16xi1>, vector<16xf32>
    %eq3A_206 = arith.constant 2 : i32
    %eq3A_207 = vector.broadcast %eq3A_206 : i32 to vector<16xi32>
    %eq3A_208 = arith.cmpi eq, %iota3A, %eq3A_207 : vector<16xi32>
    %jit3A_209 = arith.constant -1.32322955 : f32
    %broadcast_in_dim3A_210 = vector.broadcast %jit3A_209 : f32 to vector<16xf32>
    %select_n3A_211 = arith.select %eq3A_208, %broadcast_in_dim3A_210, %select_n3A_205 : vector<16xi1>, vector<16xf32>
    %eq3A_212 = arith.constant 3 : i32
    %eq3A_213 = vector.broadcast %eq3A_212 : i32 to vector<16xi32>
    %eq3A_214 = arith.cmpi eq, %iota3A, %eq3A_213 : vector<16xi32>
    %jit3A_215 = arith.constant 3.01207566 : f32
    %broadcast_in_dim3A_216 = vector.broadcast %jit3A_215 : f32 to vector<16xf32>
    %select_n3A_217 = arith.select %eq3A_214, %broadcast_in_dim3A_216, %select_n3A_211 : vector<16xi1>, vector<16xf32>
    %eq3A_218 = arith.constant 4 : i32
    %eq3A_219 = vector.broadcast %eq3A_218 : i32 to vector<16xi32>
    %eq3A_220 = arith.cmpi eq, %iota3A, %eq3A_219 : vector<16xi32>
    %jit3A_221 = arith.constant 0.388717651 : f32
    %broadcast_in_dim3A_222 = vector.broadcast %jit3A_221 : f32 to vector<16xf32>
    %select_n3A_223 = arith.select %eq3A_220, %broadcast_in_dim3A_222, %select_n3A_217 : vector<16xi1>, vector<16xf32>
    %eq3A_224 = arith.constant 5 : i32
    %eq3A_225 = vector.broadcast %eq3A_224 : i32 to vector<16xi32>
    %eq3A_226 = arith.cmpi eq, %iota3A, %eq3A_225 : vector<16xi32>
    %jit3A_227 = arith.constant -1.39269435 : f32
    %broadcast_in_dim3A_228 = vector.broadcast %jit3A_227 : f32 to vector<16xf32>
    %select_n3A_229 = arith.select %eq3A_226, %broadcast_in_dim3A_228, %select_n3A_223 : vector<16xi1>, vector<16xf32>
    %eq3A_230 = arith.constant 6 : i32
    %eq3A_231 = vector.broadcast %eq3A_230 : i32 to vector<16xi32>
    %eq3A_232 = arith.cmpi eq, %iota3A, %eq3A_231 : vector<16xi32>
    %jit3A_233 = arith.constant 0.600741446 : f32
    %broadcast_in_dim3A_234 = vector.broadcast %jit3A_233 : f32 to vector<16xf32>
    %select_n3A_235 = arith.select %eq3A_232, %broadcast_in_dim3A_234, %select_n3A_229 : vector<16xi1>, vector<16xf32>
    %eq3A_236 = arith.constant 7 : i32
    %eq3A_237 = vector.broadcast %eq3A_236 : i32 to vector<16xi32>
    %eq3A_238 = arith.cmpi eq, %iota3A, %eq3A_237 : vector<16xi32>
    %jit3A_239 = arith.constant 2.30484772 : f32
    %broadcast_in_dim3A_240 = vector.broadcast %jit3A_239 : f32 to vector<16xf32>
    %select_n3A_241 = arith.select %eq3A_238, %broadcast_in_dim3A_240, %select_n3A_235 : vector<16xi1>, vector<16xf32>
    %eq3A_242 = arith.constant 8 : i32
    %eq3A_243 = vector.broadcast %eq3A_242 : i32 to vector<16xi32>
    %eq3A_244 = arith.cmpi eq, %iota3A, %eq3A_243 : vector<16xi32>
    %jit3A_245 = arith.constant 1.69044161 : f32
    %broadcast_in_dim3A_246 = vector.broadcast %jit3A_245 : f32 to vector<16xf32>
    %select_n3A_247 = arith.select %eq3A_244, %broadcast_in_dim3A_246, %select_n3A_241 : vector<16xi1>, vector<16xf32>
    %eq3A_248 = arith.constant 9 : i32
    %eq3A_249 = vector.broadcast %eq3A_248 : i32 to vector<16xi32>
    %eq3A_250 = arith.cmpi eq, %iota3A, %eq3A_249 : vector<16xi32>
    %jit3A_251 = arith.constant 0.0157805104 : f32
    %broadcast_in_dim3A_252 = vector.broadcast %jit3A_251 : f32 to vector<16xf32>
    %select_n3A_253 = arith.select %eq3A_250, %broadcast_in_dim3A_252, %select_n3A_247 : vector<16xi1>, vector<16xf32>
    %eq3A_254 = arith.constant 10 : i32
    %eq3A_255 = vector.broadcast %eq3A_254 : i32 to vector<16xi32>
    %eq3A_256 = arith.cmpi eq, %iota3A, %eq3A_255 : vector<16xi32>
    %jit3A_257 = arith.constant 0.731081426 : f32
    %broadcast_in_dim3A_258 = vector.broadcast %jit3A_257 : f32 to vector<16xf32>
    %select_n3A_259 = arith.select %eq3A_256, %broadcast_in_dim3A_258, %select_n3A_253 : vector<16xi1>, vector<16xf32>
    %eq3A_260 = arith.constant 11 : i32
    %eq3A_261 = vector.broadcast %eq3A_260 : i32 to vector<16xi32>
    %eq3A_262 = arith.cmpi eq, %iota3A, %eq3A_261 : vector<16xi32>
    %jit3A_263 = arith.constant 0.731047392 : f32
    %broadcast_in_dim3A_264 = vector.broadcast %jit3A_263 : f32 to vector<16xf32>
    %select_n3A_265 = arith.select %eq3A_262, %broadcast_in_dim3A_264, %select_n3A_259 : vector<16xi1>, vector<16xf32>
    %eq3A_266 = arith.constant 12 : i32
    %eq3A_267 = vector.broadcast %eq3A_266 : i32 to vector<16xi32>
    %eq3A_268 = arith.cmpi eq, %iota3A, %eq3A_267 : vector<16xi32>
    %jit3A_269 = arith.constant 0.533410966 : f32
    %broadcast_in_dim3A_270 = vector.broadcast %jit3A_269 : f32 to vector<16xf32>
    %select_n3A_271 = arith.select %eq3A_268, %broadcast_in_dim3A_270, %select_n3A_265 : vector<16xi1>, vector<16xf32>
    %eq3A_272 = arith.constant 13 : i32
    %eq3A_273 = vector.broadcast %eq3A_272 : i32 to vector<16xi32>
    %eq3A_274 = arith.cmpi eq, %iota3A, %eq3A_273 : vector<16xi32>
    %jit3A_275 = arith.constant 0.0871382132 : f32
    %broadcast_in_dim3A_276 = vector.broadcast %jit3A_275 : f32 to vector<16xf32>
    %select_n3A_277 = arith.select %eq3A_274, %broadcast_in_dim3A_276, %select_n3A_271 : vector<16xi1>, vector<16xf32>
    %eq3A_278 = arith.constant 14 : i32
    %eq3A_279 = vector.broadcast %eq3A_278 : i32 to vector<16xi32>
    %eq3A_280 = arith.cmpi eq, %iota3A, %eq3A_279 : vector<16xi32>
    %jit3A_281 = arith.constant 0.221811801 : f32
    %broadcast_in_dim3A_282 = vector.broadcast %jit3A_281 : f32 to vector<16xf32>
    %select_n3A_283 = arith.select %eq3A_280, %broadcast_in_dim3A_282, %select_n3A_277 : vector<16xi1>, vector<16xf32>
    %eq3A_284 = arith.constant 15 : i32
    %eq3A_285 = vector.broadcast %eq3A_284 : i32 to vector<16xi32>
    %eq3A_286 = arith.cmpi eq, %iota3A, %eq3A_285 : vector<16xi32>
    %jit3A_287 = arith.constant 2.97838402 : f32
    %broadcast_in_dim3A_288 = vector.broadcast %jit3A_287 : f32 to vector<16xf32>
    %select_n3A_289 = arith.select %eq3A_286, %broadcast_in_dim3A_288, %select_n3A_283 : vector<16xi1>, vector<16xf32>
    %slice3A_290 = vector.extract_strided_slice %select_n3A_138 {offsets = [0], sizes = [1], strides = [1]} : vector<16xf32> to vector<1xf32>
    %squeeze3A_291 = vector.extract %slice3A_290[0] : f32 from vector<1xf32>
    %broadcast_in_dim3A_292 = vector.broadcast %squeeze3A_291 : f32 to vector<16xf32>
    %add3A_293 = arith.addf %select_n3A_289, %broadcast_in_dim3A_292 : vector<16xf32>
    %broadcast_in_dim3A_294 = arith.constant 0 : i32
    %broadcast_in_dim3A_295 = vector.broadcast %broadcast_in_dim3A_294 : i32 to vector<16xi32>
    %broadcast_in_dim3A_296 = arith.constant -0.148761094 : f32
    %broadcast_in_dim3A_297 = vector.broadcast %broadcast_in_dim3A_296 : f32 to vector<16xf32>
    %eq3A_298 = arith.constant 1 : i32
    %eq3A_299 = vector.broadcast %eq3A_298 : i32 to vector<16xi32>
    %eq3A_300 = arith.cmpi eq, %iota3A, %eq3A_299 : vector<16xi32>
    %jit3A_301 = arith.constant 0.744328677 : f32
    %broadcast_in_dim3A_302 = vector.broadcast %jit3A_301 : f32 to vector<16xf32>
    %select_n3A_303 = arith.select %eq3A_300, %broadcast_in_dim3A_302, %broadcast_in_dim3A_297 : vector<16xi1>, vector<16xf32>
    %eq3A_304 = arith.constant 2 : i32
    %eq3A_305 = vector.broadcast %eq3A_304 : i32 to vector<16xi32>
    %eq3A_306 = arith.cmpi eq, %iota3A, %eq3A_305 : vector<16xi32>
    %jit3A_307 = arith.constant 1.19474471 : f32
    %broadcast_in_dim3A_308 = vector.broadcast %jit3A_307 : f32 to vector<16xf32>
    %select_n3A_309 = arith.select %eq3A_306, %broadcast_in_dim3A_308, %select_n3A_303 : vector<16xi1>, vector<16xf32>
    %eq3A_310 = arith.constant 3 : i32
    %eq3A_311 = vector.broadcast %eq3A_310 : i32 to vector<16xi32>
    %eq3A_312 = arith.cmpi eq, %iota3A, %eq3A_311 : vector<16xi32>
    %jit3A_313 = arith.constant 0.609006941 : f32
    %broadcast_in_dim3A_314 = vector.broadcast %jit3A_313 : f32 to vector<16xf32>
    %select_n3A_315 = arith.select %eq3A_312, %broadcast_in_dim3A_314, %select_n3A_309 : vector<16xi1>, vector<16xf32>
    %eq3A_316 = arith.constant 4 : i32
    %eq3A_317 = vector.broadcast %eq3A_316 : i32 to vector<16xi32>
    %eq3A_318 = arith.cmpi eq, %iota3A, %eq3A_317 : vector<16xi32>
    %jit3A_319 = arith.constant 0.958102226 : f32
    %broadcast_in_dim3A_320 = vector.broadcast %jit3A_319 : f32 to vector<16xf32>
    %select_n3A_321 = arith.select %eq3A_318, %broadcast_in_dim3A_320, %select_n3A_315 : vector<16xi1>, vector<16xf32>
    %eq3A_322 = arith.constant 5 : i32
    %eq3A_323 = vector.broadcast %eq3A_322 : i32 to vector<16xi32>
    %eq3A_324 = arith.cmpi eq, %iota3A, %eq3A_323 : vector<16xi32>
    %jit3A_325 = arith.constant 0.90307188 : f32
    %broadcast_in_dim3A_326 = vector.broadcast %jit3A_325 : f32 to vector<16xf32>
    %select_n3A_327 = arith.select %eq3A_324, %broadcast_in_dim3A_326, %select_n3A_321 : vector<16xi1>, vector<16xf32>
    %eq3A_328 = arith.constant 6 : i32
    %eq3A_329 = vector.broadcast %eq3A_328 : i32 to vector<16xi32>
    %eq3A_330 = arith.cmpi eq, %iota3A, %eq3A_329 : vector<16xi32>
    %jit3A_331 = arith.constant 1.5143292 : f32
    %broadcast_in_dim3A_332 = vector.broadcast %jit3A_331 : f32 to vector<16xf32>
    %select_n3A_333 = arith.select %eq3A_330, %broadcast_in_dim3A_332, %select_n3A_327 : vector<16xi1>, vector<16xf32>
    %eq3A_334 = arith.constant 7 : i32
    %eq3A_335 = vector.broadcast %eq3A_334 : i32 to vector<16xi32>
    %eq3A_336 = arith.cmpi eq, %iota3A, %eq3A_335 : vector<16xi32>
    %jit3A_337 = arith.constant -1.05303085 : f32
    %broadcast_in_dim3A_338 = vector.broadcast %jit3A_337 : f32 to vector<16xf32>
    %select_n3A_339 = arith.select %eq3A_336, %broadcast_in_dim3A_338, %select_n3A_333 : vector<16xi1>, vector<16xf32>
    %eq3A_340 = arith.constant 8 : i32
    %eq3A_341 = vector.broadcast %eq3A_340 : i32 to vector<16xi32>
    %eq3A_342 = arith.cmpi eq, %iota3A, %eq3A_341 : vector<16xi32>
    %jit3A_343 = arith.constant 0.894073963 : f32
    %broadcast_in_dim3A_344 = vector.broadcast %jit3A_343 : f32 to vector<16xf32>
    %select_n3A_345 = arith.select %eq3A_342, %broadcast_in_dim3A_344, %select_n3A_339 : vector<16xi1>, vector<16xf32>
    %eq3A_346 = arith.constant 9 : i32
    %eq3A_347 = vector.broadcast %eq3A_346 : i32 to vector<16xi32>
    %eq3A_348 = arith.cmpi eq, %iota3A, %eq3A_347 : vector<16xi32>
    %jit3A_349 = arith.constant -0.114869237 : f32
    %broadcast_in_dim3A_350 = vector.broadcast %jit3A_349 : f32 to vector<16xf32>
    %select_n3A_351 = arith.select %eq3A_348, %broadcast_in_dim3A_350, %select_n3A_345 : vector<16xi1>, vector<16xf32>
    %eq3A_352 = arith.constant 10 : i32
    %eq3A_353 = vector.broadcast %eq3A_352 : i32 to vector<16xi32>
    %eq3A_354 = arith.cmpi eq, %iota3A, %eq3A_353 : vector<16xi32>
    %jit3A_355 = arith.constant -0.711971879 : f32
    %broadcast_in_dim3A_356 = vector.broadcast %jit3A_355 : f32 to vector<16xf32>
    %select_n3A_357 = arith.select %eq3A_354, %broadcast_in_dim3A_356, %select_n3A_351 : vector<16xi1>, vector<16xf32>
    %eq3A_358 = arith.constant 11 : i32
    %eq3A_359 = vector.broadcast %eq3A_358 : i32 to vector<16xi32>
    %eq3A_360 = arith.cmpi eq, %iota3A, %eq3A_359 : vector<16xi32>
    %jit3A_361 = arith.constant 0.363084018 : f32
    %broadcast_in_dim3A_362 = vector.broadcast %jit3A_361 : f32 to vector<16xf32>
    %select_n3A_363 = arith.select %eq3A_360, %broadcast_in_dim3A_362, %select_n3A_357 : vector<16xi1>, vector<16xf32>
    %eq3A_364 = arith.constant 12 : i32
    %eq3A_365 = vector.broadcast %eq3A_364 : i32 to vector<16xi32>
    %eq3A_366 = arith.cmpi eq, %iota3A, %eq3A_365 : vector<16xi32>
    %jit3A_367 = arith.constant 0.745897889 : f32
    %broadcast_in_dim3A_368 = vector.broadcast %jit3A_367 : f32 to vector<16xf32>
    %select_n3A_369 = arith.select %eq3A_366, %broadcast_in_dim3A_368, %select_n3A_363 : vector<16xi1>, vector<16xf32>
    %eq3A_370 = arith.constant 13 : i32
    %eq3A_371 = vector.broadcast %eq3A_370 : i32 to vector<16xi32>
    %eq3A_372 = arith.cmpi eq, %iota3A, %eq3A_371 : vector<16xi32>
    %jit3A_373 = arith.constant 3.34134364 : f32
    %broadcast_in_dim3A_374 = vector.broadcast %jit3A_373 : f32 to vector<16xf32>
    %select_n3A_375 = arith.select %eq3A_372, %broadcast_in_dim3A_374, %select_n3A_369 : vector<16xi1>, vector<16xf32>
    %eq3A_376 = arith.constant 14 : i32
    %eq3A_377 = vector.broadcast %eq3A_376 : i32 to vector<16xi32>
    %eq3A_378 = arith.cmpi eq, %iota3A, %eq3A_377 : vector<16xi32>
    %jit3A_379 = arith.constant 0.369789451 : f32
    %broadcast_in_dim3A_380 = vector.broadcast %jit3A_379 : f32 to vector<16xf32>
    %select_n3A_381 = arith.select %eq3A_378, %broadcast_in_dim3A_380, %select_n3A_375 : vector<16xi1>, vector<16xf32>
    %eq3A_382 = arith.constant 15 : i32
    %eq3A_383 = vector.broadcast %eq3A_382 : i32 to vector<16xi32>
    %eq3A_384 = arith.cmpi eq, %iota3A, %eq3A_383 : vector<16xi32>
    %jit3A_385 = arith.constant 3.84061503 : f32
    %broadcast_in_dim3A_386 = vector.broadcast %jit3A_385 : f32 to vector<16xf32>
    %select_n3A_387 = arith.select %eq3A_384, %broadcast_in_dim3A_386, %select_n3A_381 : vector<16xi1>, vector<16xf32>
    %slice3A_388 = vector.extract_strided_slice %select_n3A_138 {offsets = [1], sizes = [1], strides = [1]} : vector<16xf32> to vector<1xf32>
    %squeeze3A_389 = vector.extract %slice3A_388[0] : f32 from vector<1xf32>
    %broadcast_in_dim3A_390 = vector.broadcast %squeeze3A_389 : f32 to vector<16xf32>
    %add3A_391 = arith.addf %select_n3A_387, %broadcast_in_dim3A_390 : vector<16xf32>
    %gt3A = arith.cmpf ogt, %add3A_391, %add3A_293 : vector<16xf32>
    %broadcast_in_dim3A_392 = arith.constant 1 : i32
    %broadcast_in_dim3A_393 = vector.broadcast %broadcast_in_dim3A_392 : i32 to vector<16xi32>
    %select_n3A_394 = arith.select %gt3A, %broadcast_in_dim3A_393, %broadcast_in_dim3A_295 : vector<16xi1>, vector<16xi32>
    %select_n3A_395 = arith.select %gt3A, %add3A_391, %add3A_293 : vector<16xi1>, vector<16xf32>
    %broadcast_in_dim3A_396 = arith.constant 2.26662278 : f32
    %broadcast_in_dim3A_397 = vector.broadcast %broadcast_in_dim3A_396 : f32 to vector<16xf32>
    %eq3A_398 = arith.constant 1 : i32
    %eq3A_399 = vector.broadcast %eq3A_398 : i32 to vector<16xi32>
    %eq3A_400 = arith.cmpi eq, %iota3A, %eq3A_399 : vector<16xi32>
    %jit3A_401 = arith.constant 1.1037097 : f32
    %broadcast_in_dim3A_402 = vector.broadcast %jit3A_401 : f32 to vector<16xf32>
    %select_n3A_403 = arith.select %eq3A_400, %broadcast_in_dim3A_402, %broadcast_in_dim3A_397 : vector<16xi1>, vector<16xf32>
    %eq3A_404 = arith.constant 2 : i32
    %eq3A_405 = vector.broadcast %eq3A_404 : i32 to vector<16xi32>
    %eq3A_406 = arith.cmpi eq, %iota3A, %eq3A_405 : vector<16xi32>
    %jit3A_407 = arith.constant 0.62699753 : f32
    %broadcast_in_dim3A_408 = vector.broadcast %jit3A_407 : f32 to vector<16xf32>
    %select_n3A_409 = arith.select %eq3A_406, %broadcast_in_dim3A_408, %select_n3A_403 : vector<16xi1>, vector<16xf32>
    %eq3A_410 = arith.constant 3 : i32
    %eq3A_411 = vector.broadcast %eq3A_410 : i32 to vector<16xi32>
    %eq3A_412 = arith.cmpi eq, %iota3A, %eq3A_411 : vector<16xi32>
    %jit3A_413 = arith.constant 0.341992378 : f32
    %broadcast_in_dim3A_414 = vector.broadcast %jit3A_413 : f32 to vector<16xf32>
    %select_n3A_415 = arith.select %eq3A_412, %broadcast_in_dim3A_414, %select_n3A_409 : vector<16xi1>, vector<16xf32>
    %eq3A_416 = arith.constant 4 : i32
    %eq3A_417 = vector.broadcast %eq3A_416 : i32 to vector<16xi32>
    %eq3A_418 = arith.cmpi eq, %iota3A, %eq3A_417 : vector<16xi32>
    %jit3A_419 = arith.constant -0.475175381 : f32
    %broadcast_in_dim3A_420 = vector.broadcast %jit3A_419 : f32 to vector<16xf32>
    %select_n3A_421 = arith.select %eq3A_418, %broadcast_in_dim3A_420, %select_n3A_415 : vector<16xi1>, vector<16xf32>
    %eq3A_422 = arith.constant 5 : i32
    %eq3A_423 = vector.broadcast %eq3A_422 : i32 to vector<16xi32>
    %eq3A_424 = arith.cmpi eq, %iota3A, %eq3A_423 : vector<16xi32>
    %jit3A_425 = arith.constant -0.341504544 : f32
    %broadcast_in_dim3A_426 = vector.broadcast %jit3A_425 : f32 to vector<16xf32>
    %select_n3A_427 = arith.select %eq3A_424, %broadcast_in_dim3A_426, %select_n3A_421 : vector<16xi1>, vector<16xf32>
    %eq3A_428 = arith.constant 6 : i32
    %eq3A_429 = vector.broadcast %eq3A_428 : i32 to vector<16xi32>
    %eq3A_430 = arith.cmpi eq, %iota3A, %eq3A_429 : vector<16xi32>
    %jit3A_431 = arith.constant 3.347929 : f32
    %broadcast_in_dim3A_432 = vector.broadcast %jit3A_431 : f32 to vector<16xf32>
    %select_n3A_433 = arith.select %eq3A_430, %broadcast_in_dim3A_432, %select_n3A_427 : vector<16xi1>, vector<16xf32>
    %eq3A_434 = arith.constant 7 : i32
    %eq3A_435 = vector.broadcast %eq3A_434 : i32 to vector<16xi32>
    %eq3A_436 = arith.cmpi eq, %iota3A, %eq3A_435 : vector<16xi32>
    %jit3A_437 = arith.constant 0.368191212 : f32
    %broadcast_in_dim3A_438 = vector.broadcast %jit3A_437 : f32 to vector<16xf32>
    %select_n3A_439 = arith.select %eq3A_436, %broadcast_in_dim3A_438, %select_n3A_433 : vector<16xi1>, vector<16xf32>
    %eq3A_440 = arith.constant 8 : i32
    %eq3A_441 = vector.broadcast %eq3A_440 : i32 to vector<16xi32>
    %eq3A_442 = arith.cmpi eq, %iota3A, %eq3A_441 : vector<16xi32>
    %jit3A_443 = arith.constant -0.305631101 : f32
    %broadcast_in_dim3A_444 = vector.broadcast %jit3A_443 : f32 to vector<16xf32>
    %select_n3A_445 = arith.select %eq3A_442, %broadcast_in_dim3A_444, %select_n3A_439 : vector<16xi1>, vector<16xf32>
    %eq3A_446 = arith.constant 9 : i32
    %eq3A_447 = vector.broadcast %eq3A_446 : i32 to vector<16xi32>
    %eq3A_448 = arith.cmpi eq, %iota3A, %eq3A_447 : vector<16xi32>
    %jit3A_449 = arith.constant -0.88752824 : f32
    %broadcast_in_dim3A_450 = vector.broadcast %jit3A_449 : f32 to vector<16xf32>
    %select_n3A_451 = arith.select %eq3A_448, %broadcast_in_dim3A_450, %select_n3A_445 : vector<16xi1>, vector<16xf32>
    %eq3A_452 = arith.constant 10 : i32
    %eq3A_453 = vector.broadcast %eq3A_452 : i32 to vector<16xi32>
    %eq3A_454 = arith.cmpi eq, %iota3A, %eq3A_453 : vector<16xi32>
    %jit3A_455 = arith.constant 0.260250479 : f32
    %broadcast_in_dim3A_456 = vector.broadcast %jit3A_455 : f32 to vector<16xf32>
    %select_n3A_457 = arith.select %eq3A_454, %broadcast_in_dim3A_456, %select_n3A_451 : vector<16xi1>, vector<16xf32>
    %eq3A_458 = arith.constant 11 : i32
    %eq3A_459 = vector.broadcast %eq3A_458 : i32 to vector<16xi32>
    %eq3A_460 = arith.cmpi eq, %iota3A, %eq3A_459 : vector<16xi32>
    %jit3A_461 = arith.constant 0.0645031109 : f32
    %broadcast_in_dim3A_462 = vector.broadcast %jit3A_461 : f32 to vector<16xf32>
    %select_n3A_463 = arith.select %eq3A_460, %broadcast_in_dim3A_462, %select_n3A_457 : vector<16xi1>, vector<16xf32>
    %eq3A_464 = arith.constant 12 : i32
    %eq3A_465 = vector.broadcast %eq3A_464 : i32 to vector<16xi32>
    %eq3A_466 = arith.cmpi eq, %iota3A, %eq3A_465 : vector<16xi32>
    %jit3A_467 = arith.constant 0.388737321 : f32
    %broadcast_in_dim3A_468 = vector.broadcast %jit3A_467 : f32 to vector<16xf32>
    %select_n3A_469 = arith.select %eq3A_466, %broadcast_in_dim3A_468, %select_n3A_463 : vector<16xi1>, vector<16xf32>
    %eq3A_470 = arith.constant 13 : i32
    %eq3A_471 = vector.broadcast %eq3A_470 : i32 to vector<16xi32>
    %eq3A_472 = arith.cmpi eq, %iota3A, %eq3A_471 : vector<16xi32>
    %jit3A_473 = arith.constant 1.54153979 : f32
    %broadcast_in_dim3A_474 = vector.broadcast %jit3A_473 : f32 to vector<16xf32>
    %select_n3A_475 = arith.select %eq3A_472, %broadcast_in_dim3A_474, %select_n3A_469 : vector<16xi1>, vector<16xf32>
    %eq3A_476 = arith.constant 14 : i32
    %eq3A_477 = vector.broadcast %eq3A_476 : i32 to vector<16xi32>
    %eq3A_478 = arith.cmpi eq, %iota3A, %eq3A_477 : vector<16xi32>
    %jit3A_479 = arith.constant 0.363658547 : f32
    %broadcast_in_dim3A_480 = vector.broadcast %jit3A_479 : f32 to vector<16xf32>
    %select_n3A_481 = arith.select %eq3A_478, %broadcast_in_dim3A_480, %select_n3A_475 : vector<16xi1>, vector<16xf32>
    %eq3A_482 = arith.constant 15 : i32
    %eq3A_483 = vector.broadcast %eq3A_482 : i32 to vector<16xi32>
    %eq3A_484 = arith.cmpi eq, %iota3A, %eq3A_483 : vector<16xi32>
    %jit3A_485 = arith.constant 0.362443626 : f32
    %broadcast_in_dim3A_486 = vector.broadcast %jit3A_485 : f32 to vector<16xf32>
    %select_n3A_487 = arith.select %eq3A_484, %broadcast_in_dim3A_486, %select_n3A_481 : vector<16xi1>, vector<16xf32>
    %slice3A_488 = vector.extract_strided_slice %select_n3A_138 {offsets = [2], sizes = [1], strides = [1]} : vector<16xf32> to vector<1xf32>
    %squeeze3A_489 = vector.extract %slice3A_488[0] : f32 from vector<1xf32>
    %broadcast_in_dim3A_490 = vector.broadcast %squeeze3A_489 : f32 to vector<16xf32>
    %add3A_491 = arith.addf %select_n3A_487, %broadcast_in_dim3A_490 : vector<16xf32>
    %gt3A_492 = arith.cmpf ogt, %add3A_491, %select_n3A_395 : vector<16xf32>
    %broadcast_in_dim3A_493 = arith.constant 2 : i32
    %broadcast_in_dim3A_494 = vector.broadcast %broadcast_in_dim3A_493 : i32 to vector<16xi32>
    %select_n3A_495 = arith.select %gt3A_492, %broadcast_in_dim3A_494, %select_n3A_394 : vector<16xi1>, vector<16xi32>
    %select_n3A_496 = arith.select %gt3A_492, %add3A_491, %select_n3A_395 : vector<16xi1>, vector<16xf32>
    %broadcast_in_dim3A_497 = arith.constant 1.02426755 : f32
    %broadcast_in_dim3A_498 = vector.broadcast %broadcast_in_dim3A_497 : f32 to vector<16xf32>
    %eq3A_499 = arith.constant 1 : i32
    %eq3A_500 = vector.broadcast %eq3A_499 : i32 to vector<16xi32>
    %eq3A_501 = arith.cmpi eq, %iota3A, %eq3A_500 : vector<16xi32>
    %jit3A_502 = arith.constant -0.446016103 : f32
    %broadcast_in_dim3A_503 = vector.broadcast %jit3A_502 : f32 to vector<16xf32>
    %select_n3A_504 = arith.select %eq3A_501, %broadcast_in_dim3A_503, %broadcast_in_dim3A_498 : vector<16xi1>, vector<16xf32>
    %eq3A_505 = arith.constant 2 : i32
    %eq3A_506 = vector.broadcast %eq3A_505 : i32 to vector<16xi32>
    %eq3A_507 = arith.cmpi eq, %iota3A, %eq3A_506 : vector<16xi32>
    %jit3A_508 = arith.constant 0.369362175 : f32
    %broadcast_in_dim3A_509 = vector.broadcast %jit3A_508 : f32 to vector<16xf32>
    %select_n3A_510 = arith.select %eq3A_507, %broadcast_in_dim3A_509, %select_n3A_504 : vector<16xi1>, vector<16xf32>
    %eq3A_511 = arith.constant 3 : i32
    %eq3A_512 = vector.broadcast %eq3A_511 : i32 to vector<16xi32>
    %eq3A_513 = arith.cmpi eq, %iota3A, %eq3A_512 : vector<16xi32>
    %jit3A_514 = arith.constant -0.337890804 : f32
    %broadcast_in_dim3A_515 = vector.broadcast %jit3A_514 : f32 to vector<16xf32>
    %select_n3A_516 = arith.select %eq3A_513, %broadcast_in_dim3A_515, %select_n3A_510 : vector<16xi1>, vector<16xf32>
    %eq3A_517 = arith.constant 4 : i32
    %eq3A_518 = vector.broadcast %eq3A_517 : i32 to vector<16xi32>
    %eq3A_519 = arith.cmpi eq, %iota3A, %eq3A_518 : vector<16xi32>
    %jit3A_520 = arith.constant 1.79051757 : f32
    %broadcast_in_dim3A_521 = vector.broadcast %jit3A_520 : f32 to vector<16xf32>
    %select_n3A_522 = arith.select %eq3A_519, %broadcast_in_dim3A_521, %select_n3A_516 : vector<16xi1>, vector<16xf32>
    %eq3A_523 = arith.constant 5 : i32
    %eq3A_524 = vector.broadcast %eq3A_523 : i32 to vector<16xi32>
    %eq3A_525 = arith.cmpi eq, %iota3A, %eq3A_524 : vector<16xi32>
    %jit3A_526 = arith.constant 1.89617872 : f32
    %broadcast_in_dim3A_527 = vector.broadcast %jit3A_526 : f32 to vector<16xf32>
    %select_n3A_528 = arith.select %eq3A_525, %broadcast_in_dim3A_527, %select_n3A_522 : vector<16xi1>, vector<16xf32>
    %eq3A_529 = arith.constant 6 : i32
    %eq3A_530 = vector.broadcast %eq3A_529 : i32 to vector<16xi32>
    %eq3A_531 = arith.cmpi eq, %iota3A, %eq3A_530 : vector<16xi32>
    %jit3A_532 = arith.constant 1.30407202 : f32
    %broadcast_in_dim3A_533 = vector.broadcast %jit3A_532 : f32 to vector<16xf32>
    %select_n3A_534 = arith.select %eq3A_531, %broadcast_in_dim3A_533, %select_n3A_528 : vector<16xi1>, vector<16xf32>
    %eq3A_535 = arith.constant 7 : i32
    %eq3A_536 = vector.broadcast %eq3A_535 : i32 to vector<16xi32>
    %eq3A_537 = arith.cmpi eq, %iota3A, %eq3A_536 : vector<16xi32>
    %jit3A_538 = arith.constant 0.0809595286 : f32
    %broadcast_in_dim3A_539 = vector.broadcast %jit3A_538 : f32 to vector<16xf32>
    %select_n3A_540 = arith.select %eq3A_537, %broadcast_in_dim3A_539, %select_n3A_534 : vector<16xi1>, vector<16xf32>
    %eq3A_541 = arith.constant 8 : i32
    %eq3A_542 = vector.broadcast %eq3A_541 : i32 to vector<16xi32>
    %eq3A_543 = arith.cmpi eq, %iota3A, %eq3A_542 : vector<16xi32>
    %jit3A_544 = arith.constant 1.63506889 : f32
    %broadcast_in_dim3A_545 = vector.broadcast %jit3A_544 : f32 to vector<16xf32>
    %select_n3A_546 = arith.select %eq3A_543, %broadcast_in_dim3A_545, %select_n3A_540 : vector<16xi1>, vector<16xf32>
    %eq3A_547 = arith.constant 9 : i32
    %eq3A_548 = vector.broadcast %eq3A_547 : i32 to vector<16xi32>
    %eq3A_549 = arith.cmpi eq, %iota3A, %eq3A_548 : vector<16xi32>
    %jit3A_550 = arith.constant 0.956990361 : f32
    %broadcast_in_dim3A_551 = vector.broadcast %jit3A_550 : f32 to vector<16xf32>
    %select_n3A_552 = arith.select %eq3A_549, %broadcast_in_dim3A_551, %select_n3A_546 : vector<16xi1>, vector<16xf32>
    %eq3A_553 = arith.constant 10 : i32
    %eq3A_554 = vector.broadcast %eq3A_553 : i32 to vector<16xi32>
    %eq3A_555 = arith.cmpi eq, %iota3A, %eq3A_554 : vector<16xi32>
    %jit3A_556 = arith.constant 4.15773916 : f32
    %broadcast_in_dim3A_557 = vector.broadcast %jit3A_556 : f32 to vector<16xf32>
    %select_n3A_558 = arith.select %eq3A_555, %broadcast_in_dim3A_557, %select_n3A_552 : vector<16xi1>, vector<16xf32>
    %eq3A_559 = arith.constant 11 : i32
    %eq3A_560 = vector.broadcast %eq3A_559 : i32 to vector<16xi32>
    %eq3A_561 = arith.cmpi eq, %iota3A, %eq3A_560 : vector<16xi32>
    %jit3A_562 = arith.constant -0.155149356 : f32
    %broadcast_in_dim3A_563 = vector.broadcast %jit3A_562 : f32 to vector<16xf32>
    %select_n3A_564 = arith.select %eq3A_561, %broadcast_in_dim3A_563, %select_n3A_558 : vector<16xi1>, vector<16xf32>
    %eq3A_565 = arith.constant 12 : i32
    %eq3A_566 = vector.broadcast %eq3A_565 : i32 to vector<16xi32>
    %eq3A_567 = arith.cmpi eq, %iota3A, %eq3A_566 : vector<16xi32>
    %jit3A_568 = arith.constant 3.71263719 : f32
    %broadcast_in_dim3A_569 = vector.broadcast %jit3A_568 : f32 to vector<16xf32>
    %select_n3A_570 = arith.select %eq3A_567, %broadcast_in_dim3A_569, %select_n3A_564 : vector<16xi1>, vector<16xf32>
    %eq3A_571 = arith.constant 13 : i32
    %eq3A_572 = vector.broadcast %eq3A_571 : i32 to vector<16xi32>
    %eq3A_573 = arith.cmpi eq, %iota3A, %eq3A_572 : vector<16xi32>
    %jit3A_574 = arith.constant 1.28366566 : f32
    %broadcast_in_dim3A_575 = vector.broadcast %jit3A_574 : f32 to vector<16xf32>
    %select_n3A_576 = arith.select %eq3A_573, %broadcast_in_dim3A_575, %select_n3A_570 : vector<16xi1>, vector<16xf32>
    %eq3A_577 = arith.constant 14 : i32
    %eq3A_578 = vector.broadcast %eq3A_577 : i32 to vector<16xi32>
    %eq3A_579 = arith.cmpi eq, %iota3A, %eq3A_578 : vector<16xi32>
    %jit3A_580 = arith.constant -0.192408115 : f32
    %broadcast_in_dim3A_581 = vector.broadcast %jit3A_580 : f32 to vector<16xf32>
    %select_n3A_582 = arith.select %eq3A_579, %broadcast_in_dim3A_581, %select_n3A_576 : vector<16xi1>, vector<16xf32>
    %eq3A_583 = arith.constant 15 : i32
    %eq3A_584 = vector.broadcast %eq3A_583 : i32 to vector<16xi32>
    %eq3A_585 = arith.cmpi eq, %iota3A, %eq3A_584 : vector<16xi32>
    %jit3A_586 = arith.constant -0.381531388 : f32
    %broadcast_in_dim3A_587 = vector.broadcast %jit3A_586 : f32 to vector<16xf32>
    %select_n3A_588 = arith.select %eq3A_585, %broadcast_in_dim3A_587, %select_n3A_582 : vector<16xi1>, vector<16xf32>
    %slice3A_589 = vector.extract_strided_slice %select_n3A_138 {offsets = [3], sizes = [1], strides = [1]} : vector<16xf32> to vector<1xf32>
    %squeeze3A_590 = vector.extract %slice3A_589[0] : f32 from vector<1xf32>
    %broadcast_in_dim3A_591 = vector.broadcast %squeeze3A_590 : f32 to vector<16xf32>
    %add3A_592 = arith.addf %select_n3A_588, %broadcast_in_dim3A_591 : vector<16xf32>
    %gt3A_593 = arith.cmpf ogt, %add3A_592, %select_n3A_496 : vector<16xf32>
    %broadcast_in_dim3A_594 = arith.constant 3 : i32
    %broadcast_in_dim3A_595 = vector.broadcast %broadcast_in_dim3A_594 : i32 to vector<16xi32>
    %select_n3A_596 = arith.select %gt3A_593, %broadcast_in_dim3A_595, %select_n3A_495 : vector<16xi1>, vector<16xi32>
    %select_n3A_597 = arith.select %gt3A_593, %add3A_592, %select_n3A_496 : vector<16xi1>, vector<16xf32>
    %mul3A = arith.constant 32 : i32
    %mul3A_598 = vector.broadcast %mul3A : i32 to vector<16xi32>
    %mul3A_599 = arith.muli %select_n3A_596, %mul3A_598 : vector<16xi32>
    %add3A_600 = arith.constant 16 : i32
    %add3A_601 = vector.broadcast %add3A_600 : i32 to vector<16xi32>
    %add3A_602 = arith.addi %mul3A_599, %add3A_601 : vector<16xi32>
    %swap3A_603 = arith.constant 0 : index
    %swap3A_604 = tpu.vector_load %arg13[%swap3A_603] {strides = array<i32>} : memref<16xi32, #tpu.memory_space<vmem>>, vector<16xi32>,
    tpu.vector_store %arg13[%swap3A_603], %add3A_602 {strides = array<i32>} : memref<16xi32, #tpu.memory_space<vmem>>, vector<16xi32>,
    tpu.enqueue_dma source(%arg13 : memref<16xi32, #tpu.memory_space<vmem>>) target(%arg7 : memref<16xi32, #tpu.memory_space<hbm>>) target_semaphore(%arg17 : memref<!tpu.dma_semaphore, #tpu.memory_space<semaphore_mem>>)
    %broadcast_in_dim3A_605 = arith.constant 1.14596939 : f32
    %broadcast_in_dim3A_606 = vector.broadcast %broadcast_in_dim3A_605 : f32 to vector<16xf32>
    %eq3A_607 = arith.constant 1 : i32
    %eq3A_608 = vector.broadcast %eq3A_607 : i32 to vector<16xi32>
    %eq3A_609 = arith.cmpi eq, %iota3A, %eq3A_608 : vector<16xi32>
    %jit3A_610 = arith.constant -0.533817172 : f32
    %broadcast_in_dim3A_611 = vector.broadcast %jit3A_610 : f32 to vector<16xf32>
    %select_n3A_612 = arith.select %eq3A_609, %broadcast_in_dim3A_611, %broadcast_in_dim3A_606 : vector<16xi1>, vector<16xf32>
    %eq3A_613 = arith.constant 2 : i32
    %eq3A_614 = vector.broadcast %eq3A_613 : i32 to vector<16xi32>
    %eq3A_615 = arith.cmpi eq, %iota3A, %eq3A_614 : vector<16xi32>
    %jit3A_616 = arith.constant -0.788760185 : f32
    %broadcast_in_dim3A_617 = vector.broadcast %jit3A_616 : f32 to vector<16xf32>
    %select_n3A_618 = arith.select %eq3A_615, %broadcast_in_dim3A_617, %select_n3A_612 : vector<16xi1>, vector<16xf32>
    %eq3A_619 = arith.constant 3 : i32
    %eq3A_620 = vector.broadcast %eq3A_619 : i32 to vector<16xi32>
    %eq3A_621 = arith.cmpi eq, %iota3A, %eq3A_620 : vector<16xi32>
    %jit3A_622 = arith.constant -0.136874333 : f32
    %broadcast_in_dim3A_623 = vector.broadcast %jit3A_622 : f32 to vector<16xf32>
    %select_n3A_624 = arith.select %eq3A_621, %broadcast_in_dim3A_623, %select_n3A_618 : vector<16xi1>, vector<16xf32>
    %eq3A_625 = arith.constant 4 : i32
    %eq3A_626 = vector.broadcast %eq3A_625 : i32 to vector<16xi32>
    %eq3A_627 = arith.cmpi eq, %iota3A, %eq3A_626 : vector<16xi32>
    %jit3A_628 = arith.constant 0.169196323 : f32
    %broadcast_in_dim3A_629 = vector.broadcast %jit3A_628 : f32 to vector<16xf32>
    %select_n3A_630 = arith.select %eq3A_627, %broadcast_in_dim3A_629, %select_n3A_624 : vector<16xi1>, vector<16xf32>
    %eq3A_631 = arith.constant 5 : i32
    %eq3A_632 = vector.broadcast %eq3A_631 : i32 to vector<16xi32>
    %eq3A_633 = arith.cmpi eq, %iota3A, %eq3A_632 : vector<16xi32>
    %jit3A_634 = arith.constant -0.0751711205 : f32
    %broadcast_in_dim3A_635 = vector.broadcast %jit3A_634 : f32 to vector<16xf32>
    %select_n3A_636 = arith.select %eq3A_633, %broadcast_in_dim3A_635, %select_n3A_630 : vector<16xi1>, vector<16xf32>
    %eq3A_637 = arith.constant 6 : i32
    %eq3A_638 = vector.broadcast %eq3A_637 : i32 to vector<16xi32>
    %eq3A_639 = arith.cmpi eq, %iota3A, %eq3A_638 : vector<16xi32>
    %jit3A_640 = arith.constant 2.30635357 : f32
    %broadcast_in_dim3A_641 = vector.broadcast %jit3A_640 : f32 to vector<16xf32>
    %select_n3A_642 = arith.select %eq3A_639, %broadcast_in_dim3A_641, %select_n3A_636 : vector<16xi1>, vector<16xf32>
    %eq3A_643 = arith.constant 7 : i32
    %eq3A_644 = vector.broadcast %eq3A_643 : i32 to vector<16xi32>
    %eq3A_645 = arith.cmpi eq, %iota3A, %eq3A_644 : vector<16xi32>
    %jit3A_646 = arith.constant 0.877142846 : f32
    %broadcast_in_dim3A_647 = vector.broadcast %jit3A_646 : f32 to vector<16xf32>
    %select_n3A_648 = arith.select %eq3A_645, %broadcast_in_dim3A_647, %select_n3A_642 : vector<16xi1>, vector<16xf32>
    %eq3A_649 = arith.constant 8 : i32
    %eq3A_650 = vector.broadcast %eq3A_649 : i32 to vector<16xi32>
    %eq3A_651 = arith.cmpi eq, %iota3A, %eq3A_650 : vector<16xi32>
    %jit3A_652 = arith.constant -0.581312895 : f32
    %broadcast_in_dim3A_653 = vector.broadcast %jit3A_652 : f32 to vector<16xf32>
    %select_n3A_654 = arith.select %eq3A_651, %broadcast_in_dim3A_653, %select_n3A_648 : vector<16xi1>, vector<16xf32>
    %eq3A_655 = arith.constant 9 : i32
    %eq3A_656 = vector.broadcast %eq3A_655 : i32 to vector<16xi32>
    %eq3A_657 = arith.cmpi eq, %iota3A, %eq3A_656 : vector<16xi32>
    %jit3A_658 = arith.constant -0.103663966 : f32
    %broadcast_in_dim3A_659 = vector.broadcast %jit3A_658 : f32 to vector<16xf32>
    %select_n3A_660 = arith.select %eq3A_657, %broadcast_in_dim3A_659, %select_n3A_654 : vector<16xi1>, vector<16xf32>
    %eq3A_661 = arith.constant 10 : i32
    %eq3A_662 = vector.broadcast %eq3A_661 : i32 to vector<16xi32>
    %eq3A_663 = arith.cmpi eq, %iota3A, %eq3A_662 : vector<16xi32>
    %jit3A_664 = arith.constant 0.0681668893 : f32
    %broadcast_in_dim3A_665 = vector.broadcast %jit3A_664 : f32 to vector<16xf32>
    %select_n3A_666 = arith.select %eq3A_663, %broadcast_in_dim3A_665, %select_n3A_660 : vector<16xi1>, vector<16xf32>
    %eq3A_667 = arith.constant 11 : i32
    %eq3A_668 = vector.broadcast %eq3A_667 : i32 to vector<16xi32>
    %eq3A_669 = arith.cmpi eq, %iota3A, %eq3A_668 : vector<16xi32>
    %jit3A_670 = arith.constant -0.14759019 : f32
    %broadcast_in_dim3A_671 = vector.broadcast %jit3A_670 : f32 to vector<16xf32>
    %select_n3A_672 = arith.select %eq3A_669, %broadcast_in_dim3A_671, %select_n3A_666 : vector<16xi1>, vector<16xf32>
    %eq3A_673 = arith.constant 12 : i32
    %eq3A_674 = vector.broadcast %eq3A_673 : i32 to vector<16xi32>
    %eq3A_675 = arith.cmpi eq, %iota3A, %eq3A_674 : vector<16xi32>
    %jit3A_676 = arith.constant 0.206073612 : f32
    %broadcast_in_dim3A_677 = vector.broadcast %jit3A_676 : f32 to vector<16xf32>
    %select_n3A_678 = arith.select %eq3A_675, %broadcast_in_dim3A_677, %select_n3A_672 : vector<16xi1>, vector<16xf32>
    %eq3A_679 = arith.constant 13 : i32
    %eq3A_680 = vector.broadcast %eq3A_679 : i32 to vector<16xi32>
    %eq3A_681 = arith.cmpi eq, %iota3A, %eq3A_680 : vector<16xi32>
    %jit3A_682 = arith.constant 1.34029484 : f32
    %broadcast_in_dim3A_683 = vector.broadcast %jit3A_682 : f32 to vector<16xf32>
    %select_n3A_684 = arith.select %eq3A_681, %broadcast_in_dim3A_683, %select_n3A_678 : vector<16xi1>, vector<16xf32>
    %eq3A_685 = arith.constant 14 : i32
    %eq3A_686 = vector.broadcast %eq3A_685 : i32 to vector<16xi32>
    %eq3A_687 = arith.cmpi eq, %iota3A, %eq3A_686 : vector<16xi32>
    %jit3A_688 = arith.constant 1.44330156 : f32
    %broadcast_in_dim3A_689 = vector.broadcast %jit3A_688 : f32 to vector<16xf32>
    %select_n3A_690 = arith.select %eq3A_687, %broadcast_in_dim3A_689, %select_n3A_684 : vector<16xi1>, vector<16xf32>
    %eq3A_691 = arith.constant 15 : i32
    %eq3A_692 = vector.broadcast %eq3A_691 : i32 to vector<16xi32>
    %eq3A_693 = arith.cmpi eq, %iota3A, %eq3A_692 : vector<16xi32>
    %jit3A_694 = arith.constant -0.331830502 : f32
    %broadcast_in_dim3A_695 = vector.broadcast %jit3A_694 : f32 to vector<16xf32>
    %select_n3A_696 = arith.select %eq3A_693, %broadcast_in_dim3A_695, %select_n3A_690 : vector<16xi1>, vector<16xf32>
    %slice3A_697 = vector.extract_strided_slice %select_n3A_138 {offsets = [4], sizes = [1], strides = [1]} : vector<16xf32> to vector<1xf32>
    %squeeze3A_698 = vector.extract %slice3A_697[0] : f32 from vector<1xf32>
    %broadcast_in_dim3A_699 = vector.broadcast %squeeze3A_698 : f32 to vector<16xf32>
    %add3A_700 = arith.addf %select_n3A_696, %broadcast_in_dim3A_699 : vector<16xf32>
    %broadcast_in_dim3A_701 = arith.constant 0 : i32
    %broadcast_in_dim3A_702 = vector.broadcast %broadcast_in_dim3A_701 : i32 to vector<16xi32>
    %broadcast_in_dim3A_703 = arith.constant 1.43369925 : f32
    %broadcast_in_dim3A_704 = vector.broadcast %broadcast_in_dim3A_703 : f32 to vector<16xf32>
    %eq3A_705 = arith.constant 1 : i32
    %eq3A_706 = vector.broadcast %eq3A_705 : i32 to vector<16xi32>
    %eq3A_707 = arith.cmpi eq, %iota3A, %eq3A_706 : vector<16xi32>
    %jit3A_708 = arith.constant -0.29043445 : f32
    %broadcast_in_dim3A_709 = vector.broadcast %jit3A_708 : f32 to vector<16xf32>
    %select_n3A_710 = arith.select %eq3A_707, %broadcast_in_dim3A_709, %broadcast_in_dim3A_704 : vector<16xi1>, vector<16xf32>
    %eq3A_711 = arith.constant 2 : i32
    %eq3A_712 = vector.broadcast %eq3A_711 : i32 to vector<16xi32>
    %eq3A_713 = arith.cmpi eq, %iota3A, %eq3A_712 : vector<16xi32>
    %jit3A_714 = arith.constant -0.467732191 : f32
    %broadcast_in_dim3A_715 = vector.broadcast %jit3A_714 : f32 to vector<16xf32>
    %select_n3A_716 = arith.select %eq3A_713, %broadcast_in_dim3A_715, %select_n3A_710 : vector<16xi1>, vector<16xf32>
    %eq3A_717 = arith.constant 3 : i32
    %eq3A_718 = vector.broadcast %eq3A_717 : i32 to vector<16xi32>
    %eq3A_719 = arith.cmpi eq, %iota3A, %eq3A_718 : vector<16xi32>
    %jit3A_720 = arith.constant -0.810208916 : f32
    %broadcast_in_dim3A_721 = vector.broadcast %jit3A_720 : f32 to vector<16xf32>
    %select_n3A_722 = arith.select %eq3A_719, %broadcast_in_dim3A_721, %select_n3A_716 : vector<16xi1>, vector<16xf32>
    %eq3A_723 = arith.constant 4 : i32
    %eq3A_724 = vector.broadcast %eq3A_723 : i32 to vector<16xi32>
    %eq3A_725 = arith.cmpi eq, %iota3A, %eq3A_724 : vector<16xi32>
    %jit3A_726 = arith.constant 0.310394943 : f32
    %broadcast_in_dim3A_727 = vector.broadcast %jit3A_726 : f32 to vector<16xf32>
    %select_n3A_728 = arith.select %eq3A_725, %broadcast_in_dim3A_727, %select_n3A_722 : vector<16xi1>, vector<16xf32>
    %eq3A_729 = arith.constant 5 : i32
    %eq3A_730 = vector.broadcast %eq3A_729 : i32 to vector<16xi32>
    %eq3A_731 = arith.cmpi eq, %iota3A, %eq3A_730 : vector<16xi32>
    %jit3A_732 = arith.constant -0.0569857396 : f32
    %broadcast_in_dim3A_733 = vector.broadcast %jit3A_732 : f32 to vector<16xf32>
    %select_n3A_734 = arith.select %eq3A_731, %broadcast_in_dim3A_733, %select_n3A_728 : vector<16xi1>, vector<16xf32>
    %eq3A_735 = arith.constant 6 : i32
    %eq3A_736 = vector.broadcast %eq3A_735 : i32 to vector<16xi32>
    %eq3A_737 = arith.cmpi eq, %iota3A, %eq3A_736 : vector<16xi32>
    %jit3A_738 = arith.constant 0.624415159 : f32
    %broadcast_in_dim3A_739 = vector.broadcast %jit3A_738 : f32 to vector<16xf32>
    %select_n3A_740 = arith.select %eq3A_737, %broadcast_in_dim3A_739, %select_n3A_734 : vector<16xi1>, vector<16xf32>
    %eq3A_741 = arith.constant 7 : i32
    %eq3A_742 = vector.broadcast %eq3A_741 : i32 to vector<16xi32>
    %eq3A_743 = arith.cmpi eq, %iota3A, %eq3A_742 : vector<16xi32>
    %jit3A_744 = arith.constant 0.049494613 : f32
    %broadcast_in_dim3A_745 = vector.broadcast %jit3A_744 : f32 to vector<16xf32>
    %select_n3A_746 = arith.select %eq3A_743, %broadcast_in_dim3A_745, %select_n3A_740 : vector<16xi1>, vector<16xf32>
    %eq3A_747 = arith.constant 8 : i32
    %eq3A_748 = vector.broadcast %eq3A_747 : i32 to vector<16xi32>
    %eq3A_749 = arith.cmpi eq, %iota3A, %eq3A_748 : vector<16xi32>
    %jit3A_750 = arith.constant 0.92775321 : f32
    %broadcast_in_dim3A_751 = vector.broadcast %jit3A_750 : f32 to vector<16xf32>
    %select_n3A_752 = arith.select %eq3A_749, %broadcast_in_dim3A_751, %select_n3A_746 : vector<16xi1>, vector<16xf32>
    %eq3A_753 = arith.constant 9 : i32
    %eq3A_754 = vector.broadcast %eq3A_753 : i32 to vector<16xi32>
    %eq3A_755 = arith.cmpi eq, %iota3A, %eq3A_754 : vector<16xi32>
    %jit3A_756 = arith.constant -0.549994588 : f32
    %broadcast_in_dim3A_757 = vector.broadcast %jit3A_756 : f32 to vector<16xf32>
    %select_n3A_758 = arith.select %eq3A_755, %broadcast_in_dim3A_757, %select_n3A_752 : vector<16xi1>, vector<16xf32>
    %eq3A_759 = arith.constant 10 : i32
    %eq3A_760 = vector.broadcast %eq3A_759 : i32 to vector<16xi32>
    %eq3A_761 = arith.cmpi eq, %iota3A, %eq3A_760 : vector<16xi32>
    %jit3A_762 = arith.constant 1.25598729 : f32
    %broadcast_in_dim3A_763 = vector.broadcast %jit3A_762 : f32 to vector<16xf32>
    %select_n3A_764 = arith.select %eq3A_761, %broadcast_in_dim3A_763, %select_n3A_758 : vector<16xi1>, vector<16xf32>
    %eq3A_765 = arith.constant 11 : i32
    %eq3A_766 = vector.broadcast %eq3A_765 : i32 to vector<16xi32>
    %eq3A_767 = arith.cmpi eq, %iota3A, %eq3A_766 : vector<16xi32>
    %jit3A_768 = arith.constant 1.00821149 : f32
    %broadcast_in_dim3A_769 = vector.broadcast %jit3A_768 : f32 to vector<16xf32>
    %select_n3A_770 = arith.select %eq3A_767, %broadcast_in_dim3A_769, %select_n3A_764 : vector<16xi1>, vector<16xf32>
    %eq3A_771 = arith.constant 12 : i32
    %eq3A_772 = vector.broadcast %eq3A_771 : i32 to vector<16xi32>
    %eq3A_773 = arith.cmpi eq, %iota3A, %eq3A_772 : vector<16xi32>
    %jit3A_774 = arith.constant 0.463648647 : f32
    %broadcast_in_dim3A_775 = vector.broadcast %jit3A_774 : f32 to vector<16xf32>
    %select_n3A_776 = arith.select %eq3A_773, %broadcast_in_dim3A_775, %select_n3A_770 : vector<16xi1>, vector<16xf32>
    %eq3A_777 = arith.constant 13 : i32
    %eq3A_778 = vector.broadcast %eq3A_777 : i32 to vector<16xi32>
    %eq3A_779 = arith.cmpi eq, %iota3A, %eq3A_778 : vector<16xi32>
    %jit3A_780 = arith.constant 2.19756126 : f32
    %broadcast_in_dim3A_781 = vector.broadcast %jit3A_780 : f32 to vector<16xf32>
    %select_n3A_782 = arith.select %eq3A_779, %broadcast_in_dim3A_781, %select_n3A_776 : vector<16xi1>, vector<16xf32>
    %eq3A_783 = arith.constant 14 : i32
    %eq3A_784 = vector.broadcast %eq3A_783 : i32 to vector<16xi32>
    %eq3A_785 = arith.cmpi eq, %iota3A, %eq3A_784 : vector<16xi32>
    %jit3A_786 = arith.constant -0.700185477 : f32
    %broadcast_in_dim3A_787 = vector.broadcast %jit3A_786 : f32 to vector<16xf32>
    %select_n3A_788 = arith.select %eq3A_785, %broadcast_in_dim3A_787, %select_n3A_782 : vector<16xi1>, vector<16xf32>
    %eq3A_789 = arith.constant 15 : i32
    %eq3A_790 = vector.broadcast %eq3A_789 : i32 to vector<16xi32>
    %eq3A_791 = arith.cmpi eq, %iota3A, %eq3A_790 : vector<16xi32>
    %jit3A_792 = arith.constant -1.04204595 : f32
    %broadcast_in_dim3A_793 = vector.broadcast %jit3A_792 : f32 to vector<16xf32>
    %select_n3A_794 = arith.select %eq3A_791, %broadcast_in_dim3A_793, %select_n3A_788 : vector<16xi1>, vector<16xf32>
    %slice3A_795 = vector.extract_strided_slice %select_n3A_138 {offsets = [5], sizes = [1], strides = [1]} : vector<16xf32> to vector<1xf32>
    %squeeze3A_796 = vector.extract %slice3A_795[0] : f32 from vector<1xf32>
    %broadcast_in_dim3A_797 = vector.broadcast %squeeze3A_796 : f32 to vector<16xf32>
    %add3A_798 = arith.addf %select_n3A_794, %broadcast_in_dim3A_797 : vector<16xf32>
    %gt3A_799 = arith.cmpf ogt, %add3A_798, %add3A_700 : vector<16xf32>
    %broadcast_in_dim3A_800 = arith.constant 1 : i32
    %broadcast_in_dim3A_801 = vector.broadcast %broadcast_in_dim3A_800 : i32 to vector<16xi32>
    %select_n3A_802 = arith.select %gt3A_799, %broadcast_in_dim3A_801, %broadcast_in_dim3A_702 : vector<16xi1>, vector<16xi32>
    %select_n3A_803 = arith.select %gt3A_799, %add3A_798, %add3A_700 : vector<16xi1>, vector<16xf32>
    %mul3A_804 = arith.constant 3 : i32
    %mul3A_805 = vector.broadcast %mul3A_804 : i32 to vector<16xi32>
    %mul3A_806 = arith.muli %select_n3A_802, %mul3A_805 : vector<16xi32>
    %add3A_807 = arith.constant 2 : i32
    %add3A_808 = vector.broadcast %add3A_807 : i32 to vector<16xi32>
    %add3A_809 = arith.addi %mul3A_806, %add3A_808 : vector<16xi32>
    %swap3A_810 = arith.constant 0 : index
    %swap3A_811 = tpu.vector_load %arg14[%swap3A_810] {strides = array<i32>} : memref<16xi32, #tpu.memory_space<vmem>>, vector<16xi32>,
    tpu.vector_store %arg14[%swap3A_810], %add3A_809 {strides = array<i32>} : memref<16xi32, #tpu.memory_space<vmem>>, vector<16xi32>,
    tpu.enqueue_dma source(%arg14 : memref<16xi32, #tpu.memory_space<vmem>>) target(%arg8 : memref<16xi32, #tpu.memory_space<hbm>>) target_semaphore(%arg17 : memref<!tpu.dma_semaphore, #tpu.memory_space<semaphore_mem>>)
    %broadcast_in_dim3A_812 = arith.constant 0.904845178 : f32
    %broadcast_in_dim3A_813 = vector.broadcast %broadcast_in_dim3A_812 : f32 to vector<16xf32>
    %eq3A_814 = arith.constant 1 : i32
    %eq3A_815 = vector.broadcast %eq3A_814 : i32 to vector<16xi32>
    %eq3A_816 = arith.cmpi eq, %iota3A, %eq3A_815 : vector<16xi32>
    %jit3A_817 = arith.constant -0.725220263 : f32
    %broadcast_in_dim3A_818 = vector.broadcast %jit3A_817 : f32 to vector<16xf32>
    %select_n3A_819 = arith.select %eq3A_816, %broadcast_in_dim3A_818, %broadcast_in_dim3A_813 : vector<16xi1>, vector<16xf32>
    %eq3A_820 = arith.constant 2 : i32
    %eq3A_821 = vector.broadcast %eq3A_820 : i32 to vector<16xi32>
    %eq3A_822 = arith.cmpi eq, %iota3A, %eq3A_821 : vector<16xi32>
    %jit3A_823 = arith.constant 0.145135671 : f32
    %broadcast_in_dim3A_824 = vector.broadcast %jit3A_823 : f32 to vector<16xf32>
    %select_n3A_825 = arith.select %eq3A_822, %broadcast_in_dim3A_824, %select_n3A_819 : vector<16xi1>, vector<16xf32>
    %eq3A_826 = arith.constant 3 : i32
    %eq3A_827 = vector.broadcast %eq3A_826 : i32 to vector<16xi32>
    %eq3A_828 = arith.cmpi eq, %iota3A, %eq3A_827 : vector<16xi32>
    %jit3A_829 = arith.constant -1.22354662 : f32
    %broadcast_in_dim3A_830 = vector.broadcast %jit3A_829 : f32 to vector<16xf32>
    %select_n3A_831 = arith.select %eq3A_828, %broadcast_in_dim3A_830, %select_n3A_825 : vector<16xi1>, vector<16xf32>
    %eq3A_832 = arith.constant 4 : i32
    %eq3A_833 = vector.broadcast %eq3A_832 : i32 to vector<16xi32>
    %eq3A_834 = arith.cmpi eq, %iota3A, %eq3A_833 : vector<16xi32>
    %jit3A_835 = arith.constant 0.3299357 : f32
    %broadcast_in_dim3A_836 = vector.broadcast %jit3A_835 : f32 to vector<16xf32>
    %select_n3A_837 = arith.select %eq3A_834, %broadcast_in_dim3A_836, %select_n3A_831 : vector<16xi1>, vector<16xf32>
    %eq3A_838 = arith.constant 5 : i32
    %eq3A_839 = vector.broadcast %eq3A_838 : i32 to vector<16xi32>
    %eq3A_840 = arith.cmpi eq, %iota3A, %eq3A_839 : vector<16xi32>
    %jit3A_841 = arith.constant 2.50452209 : f32
    %broadcast_in_dim3A_842 = vector.broadcast %jit3A_841 : f32 to vector<16xf32>
    %select_n3A_843 = arith.select %eq3A_840, %broadcast_in_dim3A_842, %select_n3A_837 : vector<16xi1>, vector<16xf32>
    %eq3A_844 = arith.constant 6 : i32
    %eq3A_845 = vector.broadcast %eq3A_844 : i32 to vector<16xi32>
    %eq3A_846 = arith.cmpi eq, %iota3A, %eq3A_845 : vector<16xi32>
    %jit3A_847 = arith.constant 1.79340971 : f32
    %broadcast_in_dim3A_848 = vector.broadcast %jit3A_847 : f32 to vector<16xf32>
    %select_n3A_849 = arith.select %eq3A_846, %broadcast_in_dim3A_848, %select_n3A_843 : vector<16xi1>, vector<16xf32>
    %eq3A_850 = arith.constant 7 : i32
    %eq3A_851 = vector.broadcast %eq3A_850 : i32 to vector<16xi32>
    %eq3A_852 = arith.cmpi eq, %iota3A, %eq3A_851 : vector<16xi32>
    %jit3A_853 = arith.constant -0.500168264 : f32
    %broadcast_in_dim3A_854 = vector.broadcast %jit3A_853 : f32 to vector<16xf32>
    %select_n3A_855 = arith.select %eq3A_852, %broadcast_in_dim3A_854, %select_n3A_849 : vector<16xi1>, vector<16xf32>
    %eq3A_856 = arith.constant 8 : i32
    %eq3A_857 = vector.broadcast %eq3A_856 : i32 to vector<16xi32>
    %eq3A_858 = arith.cmpi eq, %iota3A, %eq3A_857 : vector<16xi32>
    %jit3A_859 = arith.constant 1.63195455 : f32
    %broadcast_in_dim3A_860 = vector.broadcast %jit3A_859 : f32 to vector<16xf32>
    %select_n3A_861 = arith.select %eq3A_858, %broadcast_in_dim3A_860, %select_n3A_855 : vector<16xi1>, vector<16xf32>
    %eq3A_862 = arith.constant 9 : i32
    %eq3A_863 = vector.broadcast %eq3A_862 : i32 to vector<16xi32>
    %eq3A_864 = arith.cmpi eq, %iota3A, %eq3A_863 : vector<16xi32>
    %jit3A_865 = arith.constant -0.34673506 : f32
    %broadcast_in_dim3A_866 = vector.broadcast %jit3A_865 : f32 to vector<16xf32>
    %select_n3A_867 = arith.select %eq3A_864, %broadcast_in_dim3A_866, %select_n3A_861 : vector<16xi1>, vector<16xf32>
    %eq3A_868 = arith.constant 10 : i32
    %eq3A_869 = vector.broadcast %eq3A_868 : i32 to vector<16xi32>
    %eq3A_870 = arith.cmpi eq, %iota3A, %eq3A_869 : vector<16xi32>
    %jit3A_871 = arith.constant -0.267977148 : f32
    %broadcast_in_dim3A_872 = vector.broadcast %jit3A_871 : f32 to vector<16xf32>
    %select_n3A_873 = arith.select %eq3A_870, %broadcast_in_dim3A_872, %select_n3A_867 : vector<16xi1>, vector<16xf32>
    %eq3A_874 = arith.constant 11 : i32
    %eq3A_875 = vector.broadcast %eq3A_874 : i32 to vector<16xi32>
    %eq3A_876 = arith.cmpi eq, %iota3A, %eq3A_875 : vector<16xi32>
    %jit3A_877 = arith.constant 0.385404617 : f32
    %broadcast_in_dim3A_878 = vector.broadcast %jit3A_877 : f32 to vector<16xf32>
    %select_n3A_879 = arith.select %eq3A_876, %broadcast_in_dim3A_878, %select_n3A_873 : vector<16xi1>, vector<16xf32>
    %eq3A_880 = arith.constant 12 : i32
    %eq3A_881 = vector.broadcast %eq3A_880 : i32 to vector<16xi32>
    %eq3A_882 = arith.cmpi eq, %iota3A, %eq3A_881 : vector<16xi32>
    %jit3A_883 = arith.constant 3.03329754 : f32
    %broadcast_in_dim3A_884 = vector.broadcast %jit3A_883 : f32 to vector<16xf32>
    %select_n3A_885 = arith.select %eq3A_882, %broadcast_in_dim3A_884, %select_n3A_879 : vector<16xi1>, vector<16xf32>
    %eq3A_886 = arith.constant 13 : i32
    %eq3A_887 = vector.broadcast %eq3A_886 : i32 to vector<16xi32>
    %eq3A_888 = arith.cmpi eq, %iota3A, %eq3A_887 : vector<16xi32>
    %jit3A_889 = arith.constant -1.05373132 : f32
    %broadcast_in_dim3A_890 = vector.broadcast %jit3A_889 : f32 to vector<16xf32>
    %select_n3A_891 = arith.select %eq3A_888, %broadcast_in_dim3A_890, %select_n3A_885 : vector<16xi1>, vector<16xf32>
    %eq3A_892 = arith.constant 14 : i32
    %eq3A_893 = vector.broadcast %eq3A_892 : i32 to vector<16xi32>
    %eq3A_894 = arith.cmpi eq, %iota3A, %eq3A_893 : vector<16xi32>
    %jit3A_895 = arith.constant 0.261146754 : f32
    %broadcast_in_dim3A_896 = vector.broadcast %jit3A_895 : f32 to vector<16xf32>
    %select_n3A_897 = arith.select %eq3A_894, %broadcast_in_dim3A_896, %select_n3A_891 : vector<16xi1>, vector<16xf32>
    %eq3A_898 = arith.constant 15 : i32
    %eq3A_899 = vector.broadcast %eq3A_898 : i32 to vector<16xi32>
    %eq3A_900 = arith.cmpi eq, %iota3A, %eq3A_899 : vector<16xi32>
    %jit3A_901 = arith.constant -0.712367415 : f32
    %broadcast_in_dim3A_902 = vector.broadcast %jit3A_901 : f32 to vector<16xf32>
    %select_n3A_903 = arith.select %eq3A_900, %broadcast_in_dim3A_902, %select_n3A_897 : vector<16xi1>, vector<16xf32>
    %slice3A_904 = vector.extract_strided_slice %select_n3A_138 {offsets = [6], sizes = [1], strides = [1]} : vector<16xf32> to vector<1xf32>
    %squeeze3A_905 = vector.extract %slice3A_904[0] : f32 from vector<1xf32>
    %broadcast_in_dim3A_906 = vector.broadcast %squeeze3A_905 : f32 to vector<16xf32>
    %add3A_907 = arith.addf %select_n3A_903, %broadcast_in_dim3A_906 : vector<16xf32>
    %broadcast_in_dim3A_908 = arith.constant 0 : i32
    %broadcast_in_dim3A_909 = vector.broadcast %broadcast_in_dim3A_908 : i32 to vector<16xi32>
    %broadcast_in_dim3A_910 = arith.constant 1.11950493 : f32
    %broadcast_in_dim3A_911 = vector.broadcast %broadcast_in_dim3A_910 : f32 to vector<16xf32>
    %eq3A_912 = arith.constant 1 : i32
    %eq3A_913 = vector.broadcast %eq3A_912 : i32 to vector<16xi32>
    %eq3A_914 = arith.cmpi eq, %iota3A, %eq3A_913 : vector<16xi32>
    %jit3A_915 = arith.constant -0.0369840339 : f32
    %broadcast_in_dim3A_916 = vector.broadcast %jit3A_915 : f32 to vector<16xf32>
    %select_n3A_917 = arith.select %eq3A_914, %broadcast_in_dim3A_916, %broadcast_in_dim3A_911 : vector<16xi1>, vector<16xf32>
    %eq3A_918 = arith.constant 2 : i32
    %eq3A_919 = vector.broadcast %eq3A_918 : i32 to vector<16xi32>
    %eq3A_920 = arith.cmpi eq, %iota3A, %eq3A_919 : vector<16xi32>
    %jit3A_921 = arith.constant -1.15320337 : f32
    %broadcast_in_dim3A_922 = vector.broadcast %jit3A_921 : f32 to vector<16xf32>
    %select_n3A_923 = arith.select %eq3A_920, %broadcast_in_dim3A_922, %select_n3A_917 : vector<16xi1>, vector<16xf32>
    %eq3A_924 = arith.constant 3 : i32
    %eq3A_925 = vector.broadcast %eq3A_924 : i32 to vector<16xi32>
    %eq3A_926 = arith.cmpi eq, %iota3A, %eq3A_925 : vector<16xi32>
    %jit3A_927 = arith.constant -0.124626547 : f32
    %broadcast_in_dim3A_928 = vector.broadcast %jit3A_927 : f32 to vector<16xf32>
    %select_n3A_929 = arith.select %eq3A_926, %broadcast_in_dim3A_928, %select_n3A_923 : vector<16xi1>, vector<16xf32>
    %eq3A_930 = arith.constant 4 : i32
    %eq3A_931 = vector.broadcast %eq3A_930 : i32 to vector<16xi32>
    %eq3A_932 = arith.cmpi eq, %iota3A, %eq3A_931 : vector<16xi32>
    %jit3A_933 = arith.constant -1.18684161 : f32
    %broadcast_in_dim3A_934 = vector.broadcast %jit3A_933 : f32 to vector<16xf32>
    %select_n3A_935 = arith.select %eq3A_932, %broadcast_in_dim3A_934, %select_n3A_929 : vector<16xi1>, vector<16xf32>
    %eq3A_936 = arith.constant 5 : i32
    %eq3A_937 = vector.broadcast %eq3A_936 : i32 to vector<16xi32>
    %eq3A_938 = arith.cmpi eq, %iota3A, %eq3A_937 : vector<16xi32>
    %jit3A_939 = arith.constant 0.554270267 : f32
    %broadcast_in_dim3A_940 = vector.broadcast %jit3A_939 : f32 to vector<16xf32>
    %select_n3A_941 = arith.select %eq3A_938, %broadcast_in_dim3A_940, %select_n3A_935 : vector<16xi1>, vector<16xf32>
    %eq3A_942 = arith.constant 6 : i32
    %eq3A_943 = vector.broadcast %eq3A_942 : i32 to vector<16xi32>
    %eq3A_944 = arith.cmpi eq, %iota3A, %eq3A_943 : vector<16xi32>
    %jit3A_945 = arith.constant 0.0597955287 : f32
    %broadcast_in_dim3A_946 = vector.broadcast %jit3A_945 : f32 to vector<16xf32>
    %select_n3A_947 = arith.select %eq3A_944, %broadcast_in_dim3A_946, %select_n3A_941 : vector<16xi1>, vector<16xf32>
    %eq3A_948 = arith.constant 7 : i32
    %eq3A_949 = vector.broadcast %eq3A_948 : i32 to vector<16xi32>
    %eq3A_950 = arith.cmpi eq, %iota3A, %eq3A_949 : vector<16xi32>
    %jit3A_951 = arith.constant -0.560568452 : f32
    %broadcast_in_dim3A_952 = vector.broadcast %jit3A_951 : f32 to vector<16xf32>
    %select_n3A_953 = arith.select %eq3A_950, %broadcast_in_dim3A_952, %select_n3A_947 : vector<16xi1>, vector<16xf32>
    %eq3A_954 = arith.constant 8 : i32
    %eq3A_955 = vector.broadcast %eq3A_954 : i32 to vector<16xi32>
    %eq3A_956 = arith.cmpi eq, %iota3A, %eq3A_955 : vector<16xi32>
    %jit3A_957 = arith.constant -0.95018804 : f32
    %broadcast_in_dim3A_958 = vector.broadcast %jit3A_957 : f32 to vector<16xf32>
    %select_n3A_959 = arith.select %eq3A_956, %broadcast_in_dim3A_958, %select_n3A_953 : vector<16xi1>, vector<16xf32>
    %eq3A_960 = arith.constant 9 : i32
    %eq3A_961 = vector.broadcast %eq3A_960 : i32 to vector<16xi32>
    %eq3A_962 = arith.cmpi eq, %iota3A, %eq3A_961 : vector<16xi32>
    %jit3A_963 = arith.constant 0.94504559 : f32
    %broadcast_in_dim3A_964 = vector.broadcast %jit3A_963 : f32 to vector<16xf32>
    %select_n3A_965 = arith.select %eq3A_962, %broadcast_in_dim3A_964, %select_n3A_959 : vector<16xi1>, vector<16xf32>
    %eq3A_966 = arith.constant 10 : i32
    %eq3A_967 = vector.broadcast %eq3A_966 : i32 to vector<16xi32>
    %eq3A_968 = arith.cmpi eq, %iota3A, %eq3A_967 : vector<16xi32>
    %jit3A_969 = arith.constant 1.00709844 : f32
    %broadcast_in_dim3A_970 = vector.broadcast %jit3A_969 : f32 to vector<16xf32>
    %select_n3A_971 = arith.select %eq3A_968, %broadcast_in_dim3A_970, %select_n3A_965 : vector<16xi1>, vector<16xf32>
    %eq3A_972 = arith.constant 11 : i32
    %eq3A_973 = vector.broadcast %eq3A_972 : i32 to vector<16xi32>
    %eq3A_974 = arith.cmpi eq, %iota3A, %eq3A_973 : vector<16xi32>
    %jit3A_975 = arith.constant 1.00412977 : f32
    %broadcast_in_dim3A_976 = vector.broadcast %jit3A_975 : f32 to vector<16xf32>
    %select_n3A_977 = arith.select %eq3A_974, %broadcast_in_dim3A_976, %select_n3A_971 : vector<16xi1>, vector<16xf32>
    %eq3A_978 = arith.constant 12 : i32
    %eq3A_979 = vector.broadcast %eq3A_978 : i32 to vector<16xi32>
    %eq3A_980 = arith.cmpi eq, %iota3A, %eq3A_979 : vector<16xi32>
    %jit3A_981 = arith.constant 4.21040297 : f32
    %broadcast_in_dim3A_982 = vector.broadcast %jit3A_981 : f32 to vector<16xf32>
    %select_n3A_983 = arith.select %eq3A_980, %broadcast_in_dim3A_982, %select_n3A_977 : vector<16xi1>, vector<16xf32>
    %eq3A_984 = arith.constant 13 : i32
    %eq3A_985 = vector.broadcast %eq3A_984 : i32 to vector<16xi32>
    %eq3A_986 = arith.cmpi eq, %iota3A, %eq3A_985 : vector<16xi32>
    %jit3A_987 = arith.constant 2.81398988 : f32
    %broadcast_in_dim3A_988 = vector.broadcast %jit3A_987 : f32 to vector<16xf32>
    %select_n3A_989 = arith.select %eq3A_986, %broadcast_in_dim3A_988, %select_n3A_983 : vector<16xi1>, vector<16xf32>
    %eq3A_990 = arith.constant 14 : i32
    %eq3A_991 = vector.broadcast %eq3A_990 : i32 to vector<16xi32>
    %eq3A_992 = arith.cmpi eq, %iota3A, %eq3A_991 : vector<16xi32>
    %jit3A_993 = arith.constant 2.59597278 : f32
    %broadcast_in_dim3A_994 = vector.broadcast %jit3A_993 : f32 to vector<16xf32>
    %select_n3A_995 = arith.select %eq3A_992, %broadcast_in_dim3A_994, %select_n3A_989 : vector<16xi1>, vector<16xf32>
    %eq3A_996 = arith.constant 15 : i32
    %eq3A_997 = vector.broadcast %eq3A_996 : i32 to vector<16xi32>
    %eq3A_998 = arith.cmpi eq, %iota3A, %eq3A_997 : vector<16xi32>
    %jit3A_999 = arith.constant 2.20077753 : f32
    %broadcast_in_dim3A_1000 = vector.broadcast %jit3A_999 : f32 to vector<16xf32>
    %select_n3A_1001 = arith.select %eq3A_998, %broadcast_in_dim3A_1000, %select_n3A_995 : vector<16xi1>, vector<16xf32>
    %slice3A_1002 = vector.extract_strided_slice %select_n3A_138 {offsets = [7], sizes = [1], strides = [1]} : vector<16xf32> to vector<1xf32>
    %squeeze3A_1003 = vector.extract %slice3A_1002[0] : f32 from vector<1xf32>
    %broadcast_in_dim3A_1004 = vector.broadcast %squeeze3A_1003 : f32 to vector<16xf32>
    %add3A_1005 = arith.addf %select_n3A_1001, %broadcast_in_dim3A_1004 : vector<16xf32>
    %gt3A_1006 = arith.cmpf ogt, %add3A_1005, %add3A_907 : vector<16xf32>
    %broadcast_in_dim3A_1007 = arith.constant 1 : i32
    %broadcast_in_dim3A_1008 = vector.broadcast %broadcast_in_dim3A_1007 : i32 to vector<16xi32>
    %select_n3A_1009 = arith.select %gt3A_1006, %broadcast_in_dim3A_1008, %broadcast_in_dim3A_909 : vector<16xi1>, vector<16xi32>
    %select_n3A_1010 = arith.select %gt3A_1006, %add3A_1005, %add3A_907 : vector<16xi1>, vector<16xf32>
    %swap3A_1011 = arith.constant 0 : index
    %swap3A_1012 = tpu.vector_load %arg15[%swap3A_1011] {strides = array<i32>} : memref<16xi32, #tpu.memory_space<vmem>>, vector<16xi32>,
    tpu.vector_store %arg15[%swap3A_1011], %select_n3A_1009 {strides = array<i32>} : memref<16xi32, #tpu.memory_space<vmem>>, vector<16xi32>,
    tpu.enqueue_dma source(%arg15 : memref<16xi32, #tpu.memory_space<vmem>>) target(%arg9 : memref<16xi32, #tpu.memory_space<hbm>>) target_semaphore(%arg17 : memref<!tpu.dma_semaphore, #tpu.memory_space<semaphore_mem>>)
    %slice3A_1013 = vector.extract_strided_slice %select_n3A_138 {offsets = [8], sizes = [1], strides = [1]} : vector<16xf32> to vector<1xf32>
    %squeeze3A_1014 = vector.extract %slice3A_1013[0] : f32 from vector<1xf32>
    %add3A_1015 = arith.constant 0.0574757494 : f32
    %add3A_1016 = arith.addf %add3A_1015, %squeeze3A_1014 : f32
    %broadcast_in_dim3A_1017 = vector.broadcast %add3A_1016 : f32 to vector<16xf32>
    %broadcast_in_dim3A_1018 = arith.constant 0 : i32
    %broadcast_in_dim3A_1019 = vector.broadcast %broadcast_in_dim3A_1018 : i32 to vector<16xi32>
    %slice3A_1020 = vector.extract_strided_slice %select_n3A_138 {offsets = [9], sizes = [1], strides = [1]} : vector<16xf32> to vector<1xf32>
    %squeeze3A_1021 = vector.extract %slice3A_1020[0] : f32 from vector<1xf32>
    %add3A_1022 = arith.constant -0.898730158 : f32
    %add3A_1023 = arith.addf %add3A_1022, %squeeze3A_1021 : f32
    %broadcast_in_dim3A_1024 = vector.broadcast %add3A_1023 : f32 to vector<16xf32>
    %gt3A_1025 = arith.cmpf ogt, %broadcast_in_dim3A_1024, %broadcast_in_dim3A_1017 : vector<16xf32>
    %broadcast_in_dim3A_1026 = arith.constant 1 : i32
    %broadcast_in_dim3A_1027 = vector.broadcast %broadcast_in_dim3A_1026 : i32 to vector<16xi32>
    %select_n3A_1028 = arith.select %gt3A_1025, %broadcast_in_dim3A_1027, %broadcast_in_dim3A_1019 : vector<16xi1>, vector<16xi32>
    %select_n3A_1029 = arith.select %gt3A_1025, %broadcast_in_dim3A_1024, %broadcast_in_dim3A_1017 : vector<16xi1>, vector<16xf32>
    %slice3A_1030 = vector.extract_strided_slice %select_n3A_138 {offsets = [10], sizes = [1], strides = [1]} : vector<16xf32> to vector<1xf32>
    %squeeze3A_1031 = vector.extract %slice3A_1030[0] : f32 from vector<1xf32>
    %add3A_1032 = arith.constant -1.09042132 : f32
    %add3A_1033 = arith.addf %add3A_1032, %squeeze3A_1031 : f32
    %broadcast_in_dim3A_1034 = vector.broadcast %add3A_1033 : f32 to vector<16xf32>
    %gt3A_1035 = arith.cmpf ogt, %broadcast_in_dim3A_1034, %select_n3A_1029 : vector<16xf32>
    %broadcast_in_dim3A_1036 = arith.constant 2 : i32
    %broadcast_in_dim3A_1037 = vector.broadcast %broadcast_in_dim3A_1036 : i32 to vector<16xi32>
    %select_n3A_1038 = arith.select %gt3A_1035, %broadcast_in_dim3A_1037, %select_n3A_1028 : vector<16xi1>, vector<16xi32>
    %select_n3A_1039 = arith.select %gt3A_1035, %broadcast_in_dim3A_1034, %select_n3A_1029 : vector<16xi1>, vector<16xf32>
    %mul3A_1040 = arith.constant 128 : i32
    %mul3A_1041 = vector.broadcast %mul3A_1040 : i32 to vector<16xi32>
    %mul3A_1042 = arith.muli %select_n3A_1038, %mul3A_1041 : vector<16xi32>
    %add3A_1043 = arith.constant 128 : i32
    %add3A_1044 = vector.broadcast %add3A_1043 : i32 to vector<16xi32>
    %add3A_1045 = arith.addi %mul3A_1042, %add3A_1044 : vector<16xi32>
    %swap3A_1046 = arith.constant 0 : index
    %swap3A_1047 = tpu.vector_load %arg16[%swap3A_1046] {strides = array<i32>} : memref<16xi32, #tpu.memory_space<vmem>>, vector<16xi32>,
    tpu.vector_store %arg16[%swap3A_1046], %add3A_1045 {strides = array<i32>} : memref<16xi32, #tpu.memory_space<vmem>>, vector<16xi32>,
    %dma_start3A_1048 = arith.constant 0 : i32
    %dma_start3A_1049 = tpu.memref_slice %arg16[%dma_start3A_1048] : memref<16xi32, #tpu.memory_space<vmem>> -> memref<1xi32, #tpu.memory_space<vmem>>
    %dma_start3A_1050 = arith.constant 0 : i32
    %dma_start3A_1051 = tpu.memref_slice %arg16[%dma_start3A_1050] : memref<16xi32, #tpu.memory_space<vmem>> -> memref<1xi32, #tpu.memory_space<vmem>>
    tpu.enqueue_dma source(%dma_start3A_1051 : memref<1xi32, #tpu.memory_space<vmem>>) target(%arg10 : memref<1xi32, #tpu.memory_space<hbm>>) target_semaphore(%arg17 : memref<!tpu.dma_semaphore, #tpu.memory_space<semaphore_mem>>)
    %dma_wait3A_1052 = arith.constant 0 : i32
    %dma_wait3A_1053 = tpu.memref_slice %arg12[%dma_wait3A_1052] : memref<16xf32, #tpu.memory_space<vmem>> -> memref<11xf32, #tpu.memory_space<vmem>>
    %dma_wait3A_1054 = arith.constant 0 : i32
    %dma_wait3A_1055 = tpu.memref_slice %arg12[%dma_wait3A_1054] : memref<16xf32, #tpu.memory_space<vmem>> -> memref<11xf32, #tpu.memory_space<vmem>>
    tpu.wait_dma2 semaphore(%arg17 : memref<!tpu.dma_semaphore, #tpu.memory_space<semaphore_mem>>) src(%dma_wait3A_1055 : memref<11xf32, #tpu.memory_space<vmem>>) dst(%arg6 : memref<11xf32, #tpu.memory_space<hbm>>)
    tpu.wait_dma2 semaphore(%arg17 : memref<!tpu.dma_semaphore, #tpu.memory_space<semaphore_mem>>) src(%arg13 : memref<16xi32, #tpu.memory_space<vmem>>) dst(%arg7 : memref<16xi32, #tpu.memory_space<hbm>>)
    tpu.wait_dma2 semaphore(%arg17 : memref<!tpu.dma_semaphore, #tpu.memory_space<semaphore_mem>>) src(%arg14 : memref<16xi32, #tpu.memory_space<vmem>>) dst(%arg8 : memref<16xi32, #tpu.memory_space<hbm>>)
    tpu.wait_dma2 semaphore(%arg17 : memref<!tpu.dma_semaphore, #tpu.memory_space<semaphore_mem>>) src(%arg15 : memref<16xi32, #tpu.memory_space<vmem>>) dst(%arg9 : memref<16xi32, #tpu.memory_space<hbm>>)
    %dma_wait3A_1056 = arith.constant 0 : i32
    %dma_wait3A_1057 = tpu.memref_slice %arg16[%dma_wait3A_1056] : memref<16xi32, #tpu.memory_space<vmem>> -> memref<1xi32, #tpu.memory_space<vmem>>
    %dma_wait3A_1058 = arith.constant 0 : i32
    %dma_wait3A_1059 = tpu.memref_slice %arg16[%dma_wait3A_1058] : memref<16xi32, #tpu.memory_space<vmem>> -> memref<1xi32, #tpu.memory_space<vmem>>
    tpu.wait_dma2 semaphore(%arg17 : memref<!tpu.dma_semaphore, #tpu.memory_space<semaphore_mem>>) src(%dma_wait3A_1059 : memref<1xi32, #tpu.memory_space<vmem>>) dst(%arg10 : memref<1xi32, #tpu.memory_space<hbm>>)
    return
  }
}

</mosaic_0001>

<sc_bundles>
// kernel: kernel.3.cloned.1.call-start
scs
__scs_entry_jumppad:
0x0: {  	(pc) =	sbr.rel $0x88, $3  }
0x1: {  	(tag) =	ssettag $0x0;
	lr =	simm.s32 $0x1  }
0x2: {  	[smem:$0x3F9D] =	sst lr;
	_ =	strace $0xD0000000  }
0x3: {  	_ = 	snop  }
0x4: {  	_ = 	snop  }
0x5: {  	_ = 	snop  }
0x6: {  	_ = 	snop  }
0x7: {  	_ = 	snop  }
__scs_overlays_trampoline_lowered:
0x8: {  	[smem:$0x3FAC] =	sst s0  }
0x9: {  	[smem:$0x3FAD] =	sst s1  }
0xa: {  	[smem:$0x3FAE] =	sst s2  }
0xb: {  	[smem:$0x3FAF] =	sst s3  }
0xc: {  	[smem:$0x3FB0] =	sst s4  }
0xd: {  	[smem:$0x3FB1] =	sst s5  }
0xe: {  	[smem:$0x3FB2] =	sst s6  }
0xf: {  	[smem:$0x3FB3] =	sst s7  }
0x10: {  	[smem:$0x3FB4] =	sst s8  }
0x11: {  	[smem:$0x3FB5] =	sst s9;
	s0 =	simm.s32 @!p0 $0x0  }
0x12: {  	s1 =	sld [smem:$0x3F9B];
	s0 =	simm.s32 @p0 $0x1  }
0x13: {  	[smem:$0x3FB6] =	sst s0;
	s0 =	simm.s32 @!p1 $0x0  }
0x14: {  	s2 =	sld [smem:$0x3F9A];
	s0 =	simm.s32 @p1 $0x1  }
0x15: {  	[smem:$0x3FB7] =	sst s0;
	s0 =	simm.s32 @!p2 $0x0  }
0x16: {  	s3 =	sld [smem:$0x3FDB];
	s0 =	simm.s32 @p2 $0x1  }
0x17: {  	s4 =	simm.s32 $0x1BF5;
	[smem:$0x3FB9] =	sst s0  }
0x18: {  	s0 =	sld [smem:$0x3F9C];
	_ =	swait.ge [sflag:s4], $0x0  }
0x19: {  	s7 =	sld [smem:$0x3F9D]  }
0x1a: {  	s8 =	sadd.s32 $0xFFFFE003, lr  }
0x1b: {  	s9 =	sadd.s32 $0xFFFFFEF7, lr;
	s5 =	simm.s32 $0xFFFFFFFF;
	p2 =	slt.u32 s8, $0xFFFFF086  }
0x1c: {  	p1 =	slt.u32 s9, $0xF7A;
	s5 =	simm.s32 @!p2 $0x0  }
0x1d: {  	s5 =	simm.s32 @p1 $0x1;
	p0 =	seq.s32 s7, s2  }
0x1e: {  	s7 =	smul.u32 @!p0 $0xF7A, s2;
	p2 =	seq.s32 @!p0 s5, $0x0  }
0x1f: {  	s9 =	smul.u32 $0xF7A, s1;
	s8 =	simm.s32 @!p0 $0x1BF5;
	p2 =	por !p2, p0  }
0x20: {  	[sflag:s8] =	ssyncset.s32 @!p0 $0xFFFFF086;
	s6 =	sadd.s32 @!p0 s3, s7;
	s7 =	simm.s32 @!p0 $0x108  }
0x21: {  	s3 =	sadd.s32 s3, s9;
	s6 =	sadd.s32 @!p0 $0x88, s6;
	s7 =	simm.s32 @p2 $0x1082  }
0x22: {  	[simem:s7], [sflag:s8] =	dma.local @!p0 [hbm:s6], $0xF7A  }
0x23: {  	s9 =	sor.u32 $0xD0000000, s2;
	s6 =	simm.s32 $0x108;
	_ =	swait.ge @!p0 [sflag:s8], $0x0  }
0x24: {  	s3 =	sadd.s32 $0x88, s3;
	s6 =	simm.s32 @!p1 $0x1082;
	[sflag:s4] =	ssyncset.s32 $0xFFFFF086  }
0x25: {  	[simem:s6], [sflag:s4] =	dma.local [hbm:s3], $0xF7A  }
0x26: {  	[smem:$0x3F9D] =	sst s1;
	(tag) =	ssettag s2;
	_ =	strace s9  }
0x27: {  	s1 =	sld [smem:$0x3FAD]  }
0x28: {  	s2 =	sld [smem:$0x3FAE]  }
0x29: {  	s4 =	sld [smem:$0x3FB0]  }
0x2a: {  	p0 =	seq.s32 s5, $0x0;
	s5 =	sld [smem:$0x3FB1]  }
0x2b: {  	s6 =	sld [smem:$0x3FB2]  }
0x2c: {  	s7 =	sld [smem:$0x3FB3]  }
0x2d: {  	s3 =	simm.s32 $0x108;
	s8 =	sld [smem:$0x3FB4]  }
0x2e: {  	s3 =	simm.s32 @!p0 $0x1082;
	s9 =	sld [smem:$0x3FB5]  }
0x2f: {  	lr =	sadd.s32 s0, s3;
	s0 =	sld [smem:$0x3FAC]  }
0x30: {  	s3 =	sld [smem:$0x3FAF]  }
0x31: {  	[smem:$0x3FB8] =	sst s10  }
0x32: {  	s10 =	sld [smem:$0x3FB6];
	_ =	sdelay $0x3  }
0x33: {  	p0 =	seq.s32 s10, $0x1;
	s10 =	sld [smem:$0x3FB8];
	_ =	sdelay $0x3  }
0x34: {  	[smem:$0x3FB8] =	sst s10  }
0x35: {  	s10 =	sld [smem:$0x3FB7];
	_ =	sdelay $0x3  }
0x36: {  	p1 =	seq.s32 s10, $0x1;
	s10 =	sld [smem:$0x3FB8];
	_ =	sdelay $0x3  }
0x37: {  	[smem:$0x3FB8] =	sst s10  }
0x38: {  	s10 =	sld [smem:$0x3FB9]  }
0x39: {  	_ = 	snop;
	(pc) =	sbr.ind lr, $3  }
0x3a: {  	_ = 	snop  }
0x3b: {  	_ = 	snop  }
0x3c: {  	p2 =	seq.s32 s10, $0x1;
	s10 =	sld [smem:$0x3FB8]  }
0x3d: {  	_ =	shalt  }
0x3e: {  	_ =	shalt  }
0x3f: {  	_ =	shalt  }
0x40: {  	_ =	shalt  }
0x41: {  	_ =	shalt  }
0x42: {  	_ =	shalt  }
0x43: {  	_ =	shalt  }
0x44: {  	_ =	shalt  }
0x45: {  	_ =	shalt  }
0x46: {  	_ =	shalt  }
0x47: {  	_ =	shalt  }
0x48: {  	_ =	shalt  }
0x49: {  	_ =	shalt  }
0x4a: {  	_ =	shalt  }
0x4b: {  	_ =	shalt  }
0x4c: {  	_ =	shalt  }
0x4d: {  	_ =	shalt  }
0x4e: {  	_ =	shalt  }
0x4f: {  	_ =	shalt  }
0x50: {  	_ =	shalt  }
0x51: {  	_ =	shalt  }
0x52: {  	_ =	shalt  }
0x53: {  	_ =	shalt  }
0x54: {  	_ =	shalt  }
0x55: {  	_ =	shalt  }
0x56: {  	_ =	shalt  }
0x57: {  	_ =	shalt  }
0x58: {  	_ =	shalt  }
0x59: {  	_ =	shalt  }
0x5a: {  	_ =	shalt  }
0x5b: {  	_ =	shalt  }
0x5c: {  	_ =	shalt  }
0x5d: {  	_ =	shalt  }
0x5e: {  	_ =	shalt  }
0x5f: {  	_ =	shalt  }
0x60: {  	_ =	shalt  }
0x61: {  	_ =	shalt  }
0x62: {  	_ =	shalt  }
0x63: {  	_ =	shalt  }
0x64: {  	_ =	shalt  }
0x65: {  	_ =	shalt  }
0x66: {  	_ =	shalt  }
0x67: {  	_ =	shalt  }
0x68: {  	_ =	shalt  }
0x69: {  	_ =	shalt  }
0x6a: {  	_ =	shalt  }
0x6b: {  	_ =	shalt  }
0x6c: {  	_ =	shalt  }
0x6d: {  	_ =	shalt  }
0x6e: {  	_ =	shalt  }
0x6f: {  	_ =	shalt  }
0x70: {  	_ =	shalt  }
0x71: {  	_ =	shalt  }
0x72: {  	_ =	shalt  }
0x73: {  	_ =	shalt  }
0x74: {  	_ =	shalt  }
0x75: {  	_ =	shalt  }
0x76: {  	_ =	shalt  }
0x77: {  	_ =	shalt  }
0x78: {  	_ =	shalt  }
0x79: {  	_ =	shalt  }
0x7a: {  	_ =	shalt  }
0x7b: {  	_ =	shalt  }
0x7c: {  	_ =	shalt  }
0x7d: {  	_ =	shalt  }
0x7e: {  	_ =	shalt  }
0x7f: {  	_ =	shalt  }
0x80: {  	_ =	shalt  }
0x81: {  	_ =	shalt  }
0x82: {  	_ =	shalt  }
0x83: {  	_ =	shalt  }
0x84: {  	_ =	shalt  }
0x85: {  	_ =	shalt  }
0x86: {  	_ =	shalt  }
0x87: {  	_ =	shalt  }
.Lfunc_end0:
.L_simem_size_0:
called_computation_lowered:
.L_overlay_start_0:
0x88: {  	s0 =	sld [smem:$0x3FD9]  }
0x89: {  	s1 =	sld [smem:$0x3FFE];
	_ =	sdelay $0x3  }
0x8a: {  	s0 =	sadd.s32 s1, s0  }
0x8b: {  	[smem:$0x3FC4] =	sst s0  }
0x8c: {  	_ = 	snop  }
0x8d: {  	s0 =	sld [smem:$0x3FC9]  }
0x8e: {  	s14 =	sld [smem:$0x3FD0]  }
0x8f: {  	s2 =	sld [smem:$0x3FC8]  }
0x90: {  	s3 =	sld [smem:$0x3FC7]  }
0x91: {  	s5 =	simm.s32 $0xA;
	s6 =	simm.s32 $0x10;
	s4 =	sld [smem:$0x3FC6]  }
0x92: {  	[smem:s6], [sflag:s5] =	dma.local [hbm:s14], $0x1  }
0x93: {  	_ =	swait.eq [sflag:s5], $0x1  }
0x94: {  	s15 =	sld [smem:$0x10]  }
0x95: {  	s16 =	sld [smem:$0x11]  }
0x96: {  	s7 =	sld [smem:$0x12];
	[sflag:s5] =	ssyncset.done $0x0  }
0x97: {  	s8 =	sld [smem:$0x13];
	[sflag:s5] =	ssyncadd.s32 $0xFFFFFFFF  }
0x98: {  	s17 =	sld [smem:$0x14];
	(tm) =	ssettm $0x1  }
0x99: {  	s9 =	sld [smem:$0x3FFB];
	_ =	sdelay $0x3  }
0x9a: {  	_ =	strace s9  }
0x9b: {  	s9 =	sld [smem:$0x3FFC];
	_ =	sdelay $0x3  }
0x9c: {  	_ =	strace s9  }
0x9d: {  	s9 =	sld [smem:$0x3FFD];
	_ =	sdelay $0x3  }
0x9e: {  	_ =	strace s9  }
0x9f: {  	_ =	strace $0x8FFFFFFF  }
0xa0: {  	s18 =	sld [smem:$0x3FDB];
	_ =	sdelay $0x1  }
0xa1: {  	s10 =	simm.s32 $_scs_section_size  }
0xa2: {  	s11 =	simm.s32 $_size__tile_overlayer_lowered;
	s12 =	simm.s32 $_tile_overlayer_lowered  }
0xa3: {  	s21 =	simm.s32 $0x1BFF;
	s20 =	sshll.u32 s12, $0x1;
	s9 =	sadd.s32 s10, s18  }
0xa4: {  	s13 =	simm.s32 $0x0;
	s19 =	sshll.u32 s11, $0x1;
	s11 =	sadd.s32 s20, s9  }
0xa5: {  	[timem:s13], [sflag:s21] =	dma.local [hbm:s11], s19  }
0xa6: {  	_ =	swait.ge [sflag:s21], s19  }
0xa7: {  	s10 =	ssub.s32 $0x0, s19;
	[sflag:s21] =	ssyncset.done $0x0  }
0xa8: {  	[sflag:s21] =	ssyncadd.s32 s10;
	_ =	sdelay $0x1  }
0xa9: {  	s22 =	simm.s32 $0x1B8B  }
0xaa: {  	_ =	swait.ge [sflag:s22], $0x1  }
0xab: {  	[sflag:s22] =	ssyncset.done $0x0  }
0xac: {  	s23 =	simm.s32 $0x1B8E;
	[sflag:s22] =	ssyncadd.s32 $0xFFFFFFFF  }
0xad: {  	s24 =	simm.s32 $execute0_lowered;
	[smem:$0x3FD2] =	sst s23  }
0xae: {  	s10 =	sshll.u32 s24, $0x1;
	_ =	strace $0x80000046;
	[dreg:$0x1] =	wrdreg $0xFFFFFFFF  }
0xaf: {  	s25 =	simm.s32 $_size_execute0_lowered;
	s9 =	sadd.s32 s9, s10;
	[dreg:$0x0] =	wrdreg $0x0  }
0xb0: {  	s10 =	sshll.u32 s25, $0x1;
	[dreg:$0x2] =	wrdreg s9  }
0xb1: {  	[dreg:$0x3] =	wrdreg s10  }
0xb2: {  	[dreg:$0x4] =	wrdreg $0xC0  }
0xb3: {  	_ =	task [dreg:s13], $0x5FFFF  }
0xb4: {  	[dreg:$0x1] =	wrdreg $0xFFFFFFFF  }
0xb5: {  	[dreg:$0x0] =	wrdreg $0x60  }
0xb6: {  	[dreg:$0x2] =	wrdreg s0  }
0xb7: {  	[dreg:$0x3] =	wrdreg s2  }
0xb8: {  	[dreg:$0x4] =	wrdreg s3  }
0xb9: {  	[dreg:$0x5] =	wrdreg s4  }
0xba: {  	[dreg:$0x6] =	wrdreg s15  }
0xbb: {  	[dreg:$0x7] =	wrdreg s16  }
0xbc: {  	[dreg:$0x8] =	wrdreg s7  }
0xbd: {  	[dreg:$0x9] =	wrdreg s8  }
0xbe: {  	[dreg:$0xa] =	wrdreg s17  }
0xbf: {  	[dreg:$0xb] =	wrdreg $0x9  }
0xc0: {  	_ =	task.clear_ibuf [dreg:s13], $0xCFFFF;
	_ =	strace $0x90000046  }
0xc1: {  	s26 =	simm.s32 $0x9;
	_ =	strace $0x80000048  }
0xc2: {  	_ =	swait.ge [sflag:s26], $0x1  }
0xc3: {  	[sflag:s26] =	ssyncadd.s32 $0xFFFFFFFF  }
0xc4: {  	_ =	strace $0x90000048  }
0xc5: {  	_ =	sfence  }
0xc6: {  	s28 =	sld [smem:$0x0];
	_ =	sdelay $0x1  }
0xc7: {  	s29 =	srdreg.scid  }
0xc8: {  	s30 =	sshll.u32 s29, $0xD;
	s31 =	sshrl.u32 s29, $0x2  }
0xc9: {  	s1 =	sand.u32 $0x1, s29;
	s2 =	sand.u32 $0x4000, s30;
	s0 =	sadd.s32 s31, s28  }
0xca: {  	s1 =	sor.u32 s2, s1;
	s0 =	sshll.u32 s0, $0x11  }
0xcb: {  	s0 =	sor.u32 s0, s1  }
0xcc: {  	s0 =	sadd.s32 $0x8F2B, s0  }
0xcd: {  	[sflag:s0] =	ssyncadd.remote.s32 $0x1  }
0xce: {  	_ =	sfence.sel $0xFFFF  }
0xcf: {  	[dreg:$0x0] =	wrdreg $0xFFFFFFFF;
	(pc) =	sbr.abs _section_cstart, $3  }
0xd0: {  	[dreg:$0x1] =	wrdreg $0xFFFFFFFF  }
0xd1: {  	_ =	task.clear_ibuf [dreg:s13], $0x2FFFF;
	_ =	strace $0x9FFFFFFF  }
0xd2: {  	(tm) =	ssettm $0x7FFFFFFF  }
0xd3: {  	_ =	shalt  }
tec
execute0_lowered:
.L_overlay_start_1:
0x0: {  	(tag) =	ssettag $0x1  }
0x1: {  	s10 =	rddreg [dreg:$0x0]  }
0x2: {  	s9 =	rddreg [dreg:$0x1]  }
0x3: {  	s8 =	rddreg [dreg:$0x2]  }
0x4: {  	s2 =	rddreg [dreg:$0x3];
	s4 =	stileid.u32  }
0x5: {  	s7 =	rddreg [dreg:$0x4];
	p0 =	sne.s32 s4, $0x0  }
.Ltmp0:
0x6: {  	s6 =	rddreg [dreg:$0x5];
	(pc) =	sbr.rel @p0 .LBB2_2-.Ltmp0, $4  }
0x7: {  	s5 =	rddreg [dreg:$0x6]  }
0x8: {  	s3 =	rddreg [dreg:$0x7]  }
0x9: {  	s1 =	rddreg [dreg:$0x8]  }
0xa: {  	s0 =	rddreg [dreg:$0x9];
	_ =	strace $0x80000047  }
0xb: {  	s4 =	simm.s32 $0x0  }
0xc: {  	[tilespmem:s4], [sflag:$0x1] =	stream.linear.gather [hbm4b:s10+s4], $0x4, $0x38;
	[tilespmem:$0x480] =	vst v63  }
0xd: {  	s14 =	simm.s32 $0x80  }
0xe: {  	[tilespmem:s14], [sflag:$0x1] =	stream.linear.gather [hbm4b:s9+s4], $0x2, $0x38;
	[tilespmem:$0x480] =	vst v63  }
0xf: {  	s15 =	simm.s32 $0x100  }
0x10: {  	[tilespmem:s15], [sflag:$0x1] =	stream.linear.gather [hbm4b:s8+s4], $0x2, $0x38;
	[tilespmem:$0x480] =	vst v63  }
0x11: {  	s16 =	simm.s32 $0x180;
	s17 =	simm.s32 $0x1  }
0x12: {  	[tilespmem:s16], [sflag:$0x1] =	stream.linear.gather [hbm4b:s2+s4], $0x3, $0x38;
	[tilespmem:$0x480] =	vst v63  }
0x13: {  	_ =	swait.ge [sflag:s17], $0x4  }
0x14: {  	[sflag:s17] =	ssyncset.done $0x0  }
0x15: {  	[sflag:s17] =	ssyncadd.s32 $0xFFFFFFFC  }
0x16: {  	_ =	swait.ge [sflag:s17], $0x2  }
0x17: {  	[sflag:s17] =	ssyncset.done $0x0  }
0x18: {  	[sflag:s17] =	ssyncadd.s32 $0xFFFFFFFE  }
0x19: {  	_ =	swait.ge [sflag:s17], $0x2  }
0x1a: {  	[sflag:s17] =	ssyncset.done $0x0  }
0x1b: {  	[sflag:s17] =	ssyncadd.s32 $0xFFFFFFFE  }
0x1c: {  	v0 =	vimm.s32 $0xBA987654;
	_ =	swait.ge [sflag:s17], $0x3  }
0x1d: {  	v1 =	vimm.s32 $0x3210FEDC;
	v2 =	vimm.s32 $0x98765432;
	v3 =	vimm.s32 $0xFEDCBA98;
	[sflag:s17] =	ssyncset.done $0x0  }
0x1e: {  	v4 =	vimm.s32 $0x10FEDCBA;
	v5 =	vimm.s32 $0x76543210;
	v3 =	vunpack.c.l.s4.s8 v3;
	[sflag:s17] =	ssyncadd.s32 $0xFFFFFFFD  }
0x1f: {  	v2 =	vunpack.c.l.s4.s8 v2;
	v4 =	vunpack.c.l.s4.s8 v4;
	v5 =	vunpack.c.l.s4.s8 v5;
	v6 =	vld [tilespmem:$0x100]  }
0x20: {  	v0 =	vunpack.c.l.s4.s8 v0;
	v1 =	vunpack.c.l.s4.s8 v1;
	v3 =	vunpack.c.0.s8.s32 v3;
	v7 =	vld [tilespmem:$0x180]  }
0x21: {  	v2 =	vunpack.c.0.s8.s32 v2;
	v4 =	vunpack.c.0.s8.s32 v4;
	v5 =	vunpack.c.0.s8.s32 v5;
	v8 =	vld [tilespmem:$0x80]  }
0x22: {  	v0 =	vunpack.c.0.s8.s32 v0;
	v1 =	vunpack.c.0.s8.s32 v1;
	v3 =	vand.u32 $0xF, v3  }
0x23: {  	v4 =	vcombine.low v4, v2;
	v3 =	vcombine.low v3, v5  }
0x24: {  	v1 =	vcombine.low v1, v0;
	v62 =	vld [tilespmem:$0x0]  }
0x25: {  	v63 =	vperm.xlane v6, v4;
	v3 =	vperm.xlane v7, v3  }
0x26: {  	vm10 =	vcmask $0x3F20;
	v1 =	vperm.xlane v8, v1  }
0x27: {  	vm1 =	vcmask $0x3F18;
	v4 =	vsel vm10, v3, v63  }
0x28: {  	vm0 =	vmmov $0xf;
	v4 =	vsel vm1, v4, v1  }
0x29: {  	vm5 =	vcmask $0xF18;
	v14 =	vnsel vm0, $0xF149F2CA, v62;
	v4 =	vsel vm0, v62, v4  }
0x2a: {  	vm6 =	vcmask $0x1720;
	(xrf0) =	vmax.scan.msk.f32 $0xffff, v14;
	v15 =	vsel vm5, $0xF149F2CA, v4  }
0x2b: {  	vm7 =	vcmask $0x1F2C;
	v16 =	vsel vm6, $0xF149F2CA, v4;
	(xrf0) =	vmax.scan.msk.f32 $0xffff, v15  }
0x2c: {  	v17 =	vsel vm7, $0xF149F2CA, v4;
	(xrf0) =	vmax.scan.msk.f32 $0xffff, v16  }
0x2d: {  	(xrf0) =	vmax.scan.msk.f32 $0xffff, v17;
	_ =	sdelay $0x2  }
0x2e: {  	v18, _, _ =	vpop (xrf0)  }
0x2f: {  	v19, _, _ =	vpop (xrf0)  }
0x30: {  	v20, _, _ =	vpop (xrf0)  }
0x31: {  	v21, _, _ =	vpop (xrf0)  }
0x32: {  	v7 =	vbroadcast v20, $0xF;
	v8 =	vbroadcast v21, $0xF  }
0x33: {  	v6 =	vbroadcast v19, $0xF  }
0x34: {  	v5 =	vbroadcast v18, $0xF;
	v7 =	vsel vm10, v8, v7  }
0x35: {  	vm8 =	vcmask $0x3F10;
	v6 =	vsel vm1, v7, v6  }
0x36: {  	v5 =	vsel vm8, v6, v5  }
0x37: {  	v4 =	vsub.f32 v4, v5;
	_ =	sdelay $0x1  }
0x38: {  	v4 =	vmul.f32 $1.442695020e+00, v4;
	_ =	sdelay $0x1  }
0x39: {  	(erf) = vpow2.f32 v4;
	_ =	sdelay $0x1  }
0x3a: {  	vm9 =	vmmov $0x7ff  }
0x3b: {  	v22 =	vimm.f32 $2.978384020e+00;
	vm15 =	vcmask $0x704;
	vm14 =	vcmask $0xB08  }
0x3c: {  	vm13 =	vcmask $0xF0C;
	vm12 =	vcmask $0x1310;
	vm11 =	vcmask $0x1714  }
0x3d: {  	v25 =	vimm.f32 $3.840615030e+00;
	vm2 =	vcmask $0x2724;
	v9 =	vimm.f32 $3.624436260e-01  }
0x3e: {  	vm3 =	vcmask $0x2B28;
	vm4 =	vcmask $0x2F2C;
	v31 =	vimm.s32 $0x10  }
0x3f: {  	v32 =	vimm.f32 $-3.815313880e-01;
	v33 =	vimm.f32 $-3.318305020e-01;
	v34 =	vimm.f32 $-1.042045950e+00  }
0x40: {  	v11 =	vimm.f32 $-7.123674150e-01;
	v12 =	vimm.f32 $2.200777530e+00;
	v24 =	vbroadcast v62, $0x0  }
0x41: {  	v56 =	vimm.s32 $0x2;
	v28 =	vbroadcast v62, $0x1;
	v29 =	vbroadcast v62, $0x2;
	v4 =	vpop (erf)  }
0x42: {  	v2 =	vbroadcast v62, $0x3;
	v48 =	vbroadcast v1, $0x4;
	v4 =	vnsel vm9, $0x0, v4  }
0x43: {  	v58 =	vimm.s32 $0x0;
	v55 =	vbroadcast v63, $0x6;
	v0 =	vbroadcast v63, $0x7;
	(xrf2) =	vadd.scan.msk.f32 $0xffff, v4  }
0x44: {  	v1 =	vbroadcast v1, $0x5;
	vm0 =	vcmask $0x3B38;
	vm7 =	vcmask $0x1F1C  }
0x45: {  	vm6 =	vcmask $0x2320;
	vm5 =	vcmask $0x3330;
	vm1 =	vcmask $0x300  }
0x46: {  	v8 =	vsel vm1, $0xBE1854D4, v25;
	v9 =	vsel vm1, $0x40111059, v9;
	vm8 =	vcmask $0x3734  }
0x47: {  	v11 =	vsel vm1, $0x3F67A3EF, v11;
	v12 =	vsel vm1, $0x3F8F4BF0, v12;
	v5 =	vsel vm1, $0x3EE9027F, v22  }
0x48: {  	v8 =	vsel vm15, $0x3F3E8C53, v8;
	v9 =	vsel vm15, $0x3F8D465C, v9;
	v11 =	vsel vm15, $0xBF39A809, v11  }
0x49: {  	v12 =	vsel vm15, $0xBD177C92, v12;
	v5 =	vsel vm15, $0x3F3B471F, v5;
	v8 =	vsel vm14, $0x3F98ED65, v8  }
0x4a: {  	v9 =	vsel vm14, $0x3F2082E9, v9;
	v11 =	vsel vm14, $0x3E149E72, v11;
	v12 =	vsel vm14, $0xBF939C2B, v12  }
0x4b: {  	v5 =	vsel vm14, $0xBFA95F96, v5;
	v8 =	vsel vm13, $0x3F1BE7E1, v8;
	v9 =	vsel vm13, $0x3EAF19A0, v9  }
0x4c: {  	v11 =	vsel vm13, $0xBF9C9D2D, v11;
	v12 =	vsel vm13, $0xBDFF3C34, v12;
	v5 =	vsel vm13, $0x4040C5D9, v5  }
0x4d: {  	v8 =	vsel vm12, $0x3F754630, v8;
	v9 =	vsel vm12, $0xBEF34A30, v9;
	v11 =	vsel vm12, $0x3EA8ED55, v11;
	v23, _, _ =	vpop (xrf2)  }
0x4e: {  	v12 =	vsel vm12, $0xBF97EA6D, v12;
	v5 =	vsel vm12, $0x3EC70600, v5;
	(v2sf) =	vpush v23, $0x3  }
0x4f: {  	v8 =	vsel vm11, $0x3F672FB8, v8;
	v9 =	vsel vm11, $0xBEAED9AF, v9;
	(v2sf) =	vpush v23, $0x5  }
0x50: {  	v11 =	vsel vm11, $0x40204A17, v11;
	v12 =	vsel vm11, $0x3F0DE4A8, v12;
	(v2sf) =	vpush v23, $0x7  }
0x51: {  	v5 =	vsel vm11, $0xBFB243CF, v5;
	vm9 =	vcmask $0x1B18;
	(v2sf) =	vpush v23, $0xA  }
0x52: {  	v5 =	vsel vm9, $0x3F19CA31, v5;
	v8 =	vsel vm9, $0x3FC1D58A, v8;
	v9 =	vsel vm9, $0x40564478, v9  }
0x53: {  	v11 =	vsel vm9, $0x3FE58E73, v11;
	v12 =	vsel vm9, $0x3D74EC28, v12;
	v5 =	vsel vm7, $0x401382A0, v5  }
0x54: {  	v8 =	vsel vm7, $0xBF86C9B7, v8;
	v9 =	vsel vm7, $0x3EBC838F, v9;
	v11 =	vsel vm7, $0xBF000B07, v11  }
0x55: {  	v12 =	vsel vm7, $0xBF0F816A, v12;
	v5 =	vsel vm6, $0x3FD86064, v5;
	v8 =	vsel vm6, $0x3F64E208, v8  }
0x56: {  	v9 =	vsel vm6, $0xBE9C7BAE, v9;
	v38 =	vsel vm6, $0x3FD0E3E3, v11;
	v39 =	vsel vm6, $0xBF733F86, v12  }
0x57: {  	v5 =	vsel vm2, $0x3C814621, v5;
	v8 =	vsel vm2, $0xBDEB4090, v8;
	v9 =	vsel vm2, $0xBF63350D, v9  }
0x58: {  	v43 =	vsel vm2, $0xBEB18742, v38;
	v44 =	vsel vm2, $0x3F71EE82, v39;
	v5 =	vsel vm3, $0x3F3B2827, v5  }
0x59: {  	v8 =	vsel vm3, $0xBF3643CA, v8;
	v27 =	vsel vm3, $0x3E853F8D, v9;
	v9 =	vsel vm1, $0x3F92AF20, v33  }
0x5a: {  	v5 =	vsel vm4, $0x3F3B25EC, v5;
	v8 =	vsel vm4, $0x3EB9E626, v8;
	v9 =	vsel vm15, $0xBF08A83E, v9  }
0x5b: {  	v5 =	vsel vm5, $0x3F088D9F, v5;
	v26 =	vsel vm5, $0x3F3EF32A, v8;
	v8 =	vsel vm4, $0x3D841A35, v27  }
0x5c: {  	v9 =	vsel vm14, $0xBF49EC30, v9;
	v5 =	vsel vm8, $0x3DB27585, v5;
	v7 =	vsel vm8, $0x4055D893, v26  }
0x5d: {  	v8 =	vsel vm5, $0x3EC70894, v8;
	v9 =	vsel vm13, $0xBE0C28C9, v9;
	v5 =	vsel vm0, $0x3E6322A2, v5;
	s18 =	spop (v2sf)  }
0x5e: {  	v7 =	vsel vm0, $0x3EBD550B, v7;
	v8 =	vsel vm8, $0x3FC5512D, v8;
	v9 =	vsel vm12, $0x3E2D41CD, v9;
	s19 =	spop (v2sf)  }
0x5f: {  	v5 =	vadd.f32 v5, v24;
	v7 =	vadd.f32 v7, v28;
	v9 =	vsel vm11, $0xBD99F351, v9;
	s20 =	spop (v2sf)  }
0x60: {  	v8 =	vsel vm0, $0x3EBA3174, v8;
	vm0 =	vcmask $0x3F18;
	v9 =	vsel vm9, $0x40139B4C, v9;
	s11 =	ssub.f32 s20, s19;
	s12 =	spop (v2sf)  }
0x61: {  	v8 =	vadd.f32 v8, v29;
	v6 =	vbroadcast v23, $0x3;
	v9 =	vsel vm7, $0x3F608C6F, v9;
	s10 =	ssub.f32 s12, s20  }
0x62: {  	v36 =	vsel vm6, $0xBF14D0EC, v9;
	v9 =	vsel vm3, $0xBE89344D, v43;
	s8 =	ssub.f32 s19, s18;
	v10 =	vmov s11  }
0x63: {  	(v2sf) =	vpush v3, $0x8;
	v10 =	vsel vm10, s10, v10;
	vm10 =	vgt.f32 v7, v5  }
0x64: {  	v30 =	vnsel vm0, s8, v10;
	v5 =	vsel vm10, v7, v5;
	vm0 =	vcmask $0x3F10  }
0x65: {  	(v2sf) =	vpush v3, $0x9;
	v6 =	vsel vm0, v30, v6;
	vm0 =	vgt.f32 v8, v5  }
0x66: {  	v9 =	vsel vm4, $0x3EC553C1, v9;
	v5 =	vsel vm0, v8, v5;
	v8 =	vsel vm1, $0x3F831B33, v32  }
0x67: {  	v41 =	vsel vm2, $0xBDD44DC6, v36;
	v9 =	vsel vm5, $0x4042218C, v9;
	v8 =	vsel vm15, $0xBEE45C39, v8  }
0x68: {  	v53 =	vsel vm8, $0xBF86E0AB, v9;
	v10 =	vsel vm1, $0x3FB78375, v34;
	v8 =	vsel vm14, $0x3EBD1D0A, v8  }
0x69: {  	(v2sf) =	vpush v3, $0xA;
	v10 =	vsel vm15, $0xBE94B3D3, v10;
	v8 =	vsel vm13, $0xBEAD0006, v8  }
0x6a: {  	v10 =	vsel vm14, $0xBEEF7A98, v10;
	(erf) = vrcp.f32 v6;
	v8 =	vsel vm12, $0x3FE52FAE, v8  }
0x6b: {  	v7 =	vsel vm10, $0x30, v31;
	v10 =	vsel vm13, $0xBF4F69DA, v10;
	v8 =	vsel vm11, $0x3FF2B5FC, v8  }
0x6c: {  	vm10 =	vcmask $0x3B38;
	v10 =	vsel vm12, $0x3E9EEC16, v10;
	v8 =	vsel vm9, $0x3FA6EBD5, v8  }
0x6d: {  	v6 =	vsel vm3, $0x3D8B9B15, v41;
	v10 =	vsel vm11, $0xBD6969E1, v10;
	v8 =	vsel vm7, $0x3DA5CE1C, v8  }
0x6e: {  	v6 =	vsel vm4, $0xBE1721E2, v6;
	v10 =	vsel vm9, $0x3F1FD9AC, v10;
	v8 =	vsel vm6, $0x3FD149F0, v8  }
0x6f: {  	v45 =	vsel vm5, $0x3E5304F6, v6;
	v10 =	vsel vm7, $0x3D4ABADD, v10;
	v8 =	vsel vm2, $0x3F74FD52, v8  }
0x70: {  	v37 =	vsel vm6, $0x3F6D813C, v10;
	v10 =	vsel vm3, $0x3F80E89A, v44;
	v35 =	vsel vm3, $0x40850C33, v8  }
0x71: {  	v42 =	vsel vm2, $0xBF0CCC72, v37;
	v10 =	vsel vm4, $0x3F808753, v10;
	v40 =	vsel vm4, $0xBE1EDF79, v35  }
0x72: {  	v10 =	vsel vm5, $0x4086BB9F, v10;
	v8 =	vsel vm3, $0x3FA0C431, v42;
	v3 =	vsel vm5, $0x406D9BD9, v40  }
0x73: {  	s21 =	spop (v2sf);
	v46 =	vpop (erf);
	v54 =	vsel vm8, $0x40341869, v10;
	v8 =	vsel vm4, $0x3F810D13, v8;
	v3 =	vsel vm8, $0x3FA44F28, v3  }
0x74: {  	s23 =	spop (v2sf);
	s26 =	sadd.f32 $5.747574940e-02, s21;
	v47 =	vmul.f32 v46, v4;
	v8 =	vsel vm5, $0x3EED635B, v8;
	v3 =	vsel vm10, $0xBE4506A2, v3  }
0x75: {  	s25 =	sadd.f32 $-8.987301580e-01, s23;
	v49 =	vsel vm8, $0x400CA4D8, v8;
	v2 =	vadd.f32 v3, v2;
	v3 =	vsel vm8, $0x3FAB8EC8, v45  }
0x76: {  	s22 =	simm.s32 $0x200;
	v7 =	vsel vm0, $0x50, v7;
	[tilespmem:$0x200] =	vst v47;
	v52 =	vsel vm10, $0xBF333F5B, v49;
	v51 =	vsel vm10, $0x3FB8BE1B, v3  }
0x77: {  	[hbm4b:s7+s4] =	stream.linear.scatter [tilespmem:s22], [sflag:$0x1], $0xB, $0x38;
	v1 =	vadd.f32 v52, v1;
	vm11 =	vgt.f32 v2, v5;
	v2 =	vadd.f32 v51, v48;
	[tilespmem:$0x480] =	vst v63  }
0x78: {  	s28 =	spop (v2sf);
	v4 =	vsel vm10, $0x4026246B, v54;
	v3 =	vsel vm10, $0x3E85B507, v53;
	v50 =	vsel vm11, $0x70, v7  }
0x79: {  	s24 =	simm.s32 $0x280;
	s8 =	sadd.f32 $-1.090421320e+00, s28;
	v0 =	vadd.f32 v4, v0;
	v57 =	vadd.f32 v3, v55;
	[tilespmem:$0x280] =	vst v50;
	vm12 =	vgt.f32 v1, v2  }
0x7a: {  	v62 =	vimm.s32 $0x80;
	v59 =	vmov s25;
	[hbm4b:s6+s4] =	stream.linear.scatter [tilespmem:s24], [sflag:$0x1], $0x80, $0x38;
	v1 =	vsel vm12, $0x5, v56;
	[tilespmem:$0x480] =	vst v63  }
0x7b: {  	s29 =	simm.s32 $0x300;
	v60 =	vmov s26;
	vm14 =	vgt.f32 v59, s26;
	vm13 =	vgt.f32 v0, v57;
	[tilespmem:$0x300] =	vst v1  }
0x7c: {  	v61 =	vmov s8;
	v0 =	vsel vm13, $0x1, v58;
	v1 =	vsel vm14, s25, v60;
	[hbm4b:s5+s4] =	stream.linear.scatter [tilespmem:s29], [sflag:$0x1], $0x80, $0x38;
	[tilespmem:$0x480] =	vst v63  }
0x7d: {  	s30 =	simm.s32 $0x380;
	v63 =	vsel vm14, $0x100, v62;
	vm15 =	vgt.f32 v61, v1;
	[tilespmem:$0x380] =	vst v0  }
0x7e: {  	v0 =	vsel vm15, $0x180, v63;
	[hbm4b:s3+s4] =	stream.linear.scatter [tilespmem:s30], [sflag:$0x1], $0x80, $0x38;
	[tilespmem:$0x480] =	vst v63  }
0x7f: {  	s31 =	simm.s32 $0x400;
	[tilespmem:$0x400] =	vst v0  }
0x80: {  	[hbm4b:s1+s4] =	stream.linear.scatter [tilespmem:s31], [sflag:$0x1], $0x1, $0x38;
	[tilespmem:$0x480] =	vst v63  }
0x81: {  	_ =	swait.ge [sflag:s17], $0xB  }
0x82: {  	[sflag:s17] =	ssyncset.done $0x0  }
0x83: {  	[sflag:s17] =	ssyncadd.s32 $0xFFFFFFF5  }
0x84: {  	_ =	swait.ge [sflag:s17], $0x80  }
0x85: {  	[sflag:s17] =	ssyncset.done $0x0  }
0x86: {  	[sflag:s17] =	ssyncadd.s32 $0xFFFFFF80  }
0x87: {  	_ =	swait.ge [sflag:s17], $0x80  }
0x88: {  	[sflag:s17] =	ssyncset.done $0x0  }
0x89: {  	[sflag:s17] =	ssyncadd.s32 $0xFFFFFF80  }
0x8a: {  	_ =	swait.ge [sflag:s17], $0x80  }
0x8b: {  	[sflag:s17] =	ssyncset.done $0x0  }
0x8c: {  	[sflag:s17] =	ssyncadd.s32 $0xFFFFFF80  }
0x8d: {  	_ =	swait.ge [sflag:s17], $0x1  }
0x8e: {  	[sflag:s17] =	ssyncset.done $0x0  }
0x8f: {  	[sflag:s17] =	ssyncadd.s32 $0xFFFFFFFF  }
.LBB2_2:
0x90: {  	_ =	sfence.sel $0x180000  }
0x91: {  	[bflag:$0x0] =	sbarrier.arrive $0xFFFF  }
0x92: {  	_ =	strace $0x90000047  }
0x93: {  	s0 =	sadd.s32 @!p0 $0x100000, s0;
	[bflag:$0x2] =	sbarrier.arrive $0xFFFF  }
0x94: {  	[sflag:s0] =	ssyncadd.tile.s32 @!p0 $0x1;
	_ =	shalt  }
.Lfunc_end2:
_tile_overlayer_lowered:
.L_overlay_start_2:
0x95: {  	(tag) =	ssettag $0x2  }
0x96: {  	s0 =	rddreg [dreg:$0x0];
	s2 =	stileid.u32  }
0x97: {  	s1 =	rddreg [dreg:$0x1];
	p0 =	sne.s32 s2, $0x0  }
0x98: {  	s3 =	rddreg [dreg:$0x2];
	[bflag:$0x3] =	sbarrier.arrive $0xFFFF;
	s2 =	simm.s32 @!p0 $0x1C02  }
0x99: {  	[timem:s3], [sflag:s2] =	dma.local @!p0 [hbm:s0], s1  }
0x9a: {  	s0 =	simm.s32 @!p0 $0x2  }
0x9b: {  	_ =	swait.ge @!p0 [sflag:s0], s1  }
0x9c: {  	s1 =	ssub.s32 @!p0 $0x0, s1;
	[sflag:s0] =	ssyncset.done @!p0 $0x0  }
0x9d: {  	[sflag:s0] =	ssyncadd.s32 @!p0 s1  }
0x9e: {  	[bflag:$0x3] =	sbarrier.arrive $0xFFFF  }
0x9f: {  	_ =	shalt  }

</sc_bundles>
